<compile_context>
chip_gen: v7x
topology: tpu7x:2x2x1
jax: 0.10.2.dev20260603
libtpu: 0.0.44.dev20260713+nightly
codegen_flags: <defaults>
</compile_context>

<pallas_src>
import functools
import jax
import jax.numpy as jnp
from jax import lax
from jax.experimental import pallas as pl
from jax.experimental.pallas import tpu as pltpu
from jax.experimental.pallas import tpu_sc as plsc

_MAXR = 32
_HEADS = 16
_S = 2048
_NW = 32
_RPW = (_HEADS * _S) // _NW
_ML = 4112


@functools.partial(
    pl.kernel,
    out_type=jax.ShapeDtypeStruct((_HEADS * _S * _S,), jnp.float32),
    mesh=plsc.VectorSubcoreMesh(core_axis_name="c", subcore_axis_name="s"),
    scratch_types=[
        pltpu.VMEM((_HEADS * 64,), jnp.float32),
        pltpu.VMEM((8 * _ML,), jnp.float32),
        pltpu.SemaphoreType.DMA,
    ],
)
def _sc_bias(tab_hbm, out_hbm, tab_v, m8_v, sem):
    wid = lax.axis_index("s") * 2 + lax.axis_index("c")
    h = wid // 2
    pltpu.sync_copy(tab_hbm, tab_v)

    rchunks = [tab_v[pl.ds(pl.multiple_of(h * 64 + 16 * kc, 16), 16)] for kc in range(4)]
    g62 = jnp.full((16,), rchunks[0][0], jnp.float32)
    g0 = jnp.full((16,), rchunks[3][14], jnp.float32)

    for p in range(8):

        def fbody(c, _, p=p):
            off = pl.multiple_of(p * _ML + c * 16, 16)
            m8_v[pl.ds(off, 16)] = jnp.where(c * 16 < 2048, g62, g0)
            return 0

        lax.fori_loop(0, _ML // 16, fbody, 0)

    for p in range(8):
        for kc in range(4):
            m8_v[pl.ds(p * _ML + 2016 - p + 16 * kc, 16)] = rchunks[kc]

    base = wid * _RPW

    def rbody(it, _):
        r0 = base + it * 16
        i0 = lax.rem(r0, _S)
        copies = []
        for g in range(2):
            s0 = 2040 - (i0 + 8 * g)
            for j in range(8):
                src_off = pl.multiple_of((7 - j) * _ML + s0, 8)
                dst_off = pl.multiple_of((r0 + 8 * g + j) * _S, 8)
                copies.append(
                    pltpu.async_copy(
                        m8_v.at[pl.ds(src_off, _S)],
                        out_hbm.at[pl.ds(dst_off, _S)],
                        sem,
                    )
                )
        for c in copies:
            c.wait()
        return 0

    lax.fori_loop(0, _RPW // 16, rbody, 0)


def kernel(seq_len, table):
    rtab = jnp.concatenate([table[::-1], table[:1]], axis=0).T
    out = _sc_bias(rtab.reshape(-1))
    return out.reshape(1, _HEADS, _S, _S)

# --- scband reference (transcript-rebuilt; emitter-appended) ---
"""Pipeline reference for scband-relative-position-bias-62895501082865 (READ-ONLY COPY).

The authoritative reference and input builder live on the scoring server;
editing this copy changes nothing except your own understanding.
"""

import jax, jax.numpy as jnp
import numpy as np
import math

MAX_REL_POS = 32
N_HEADS = 16
SEQ_LEN = 2048


def setup_inputs(seed: int = 0) -> dict:
    key = jax.random.key(seed)
    rows = 2 * MAX_REL_POS - 1
    limit = math.sqrt(6.0 / (rows + N_HEADS))  # xavier_uniform
    table = jax.random.uniform(key, (rows, N_HEADS), minval=-limit, maxval=limit, dtype=jnp.float32)
    return {"seq_len": 2048, "table": table}


def reference(seq_len, table):
    positions = jnp.arange(SEQ_LEN) + (seq_len - SEQ_LEN)
    relative_positions = positions[:, None] - positions[None, :]
    relative_positions = jnp.clip(relative_positions, -MAX_REL_POS + 1, MAX_REL_POS - 1)
    relative_positions = relative_positions + MAX_REL_POS - 1
    bias = jnp.take(table, relative_positions, axis=0)  # [S, S, H]
    return jnp.transpose(bias, (2, 0, 1))[None]  # [1, H, S, S]

if __name__ == "__main__":
    import jax
    _d = setup_inputs()
    print(jax.jit(kernel)(*tuple(_d.values())))

</pallas_src>

<mosaic_0001>
#map = affine_map<(d0, d1) -> (0)>
module attributes {stable_mosaic.version = 14 : i64} {
  func.func @_sc_bias(%arg0: i32, %arg1: i32, %arg2: memref<1024xf32, #tpu.memory_space<hbm>>, %arg3: memref<67108864xf32, #tpu.memory_space<hbm>>, %arg4: memref<1024xf32, #tpu.memory_space<vmem>>, %arg5: memref<32896xf32, #tpu.memory_space<vmem>>, %arg6: memref<!tpu.dma_semaphore, #tpu.memory_space<semaphore_mem>>) attributes {dimension_semantics = [#tpu.dimension_semantics<core_parallel>, #tpu.dimension_semantics<subcore_parallel>], iteration_bounds = array<i64: 2, 16>, scalar_prefetch = 0 : i64, scratch_operands = 3 : i64, tpu.core_type = #tpu.core_type<sc_vector_subcore>, window_params = [{transform_indices = #map}, {transform_indices = #map}]} {
    %mul3A = arith.constant 2 : i32
    %mul3A_0 = arith.muli %arg1, %mul3A : i32
    %add3A = arith.addi %mul3A_0, %arg0 : i32
    %jit3A = arith.constant 2 : i32
    %div3A = arith.divsi %add3A, %jit3A : i32
    %sign3A = arith.constant 0 : i32
    %sign3A_1 = arith.cmpi sgt, %add3A, %sign3A : i32
    %sign3A_2 = arith.extui %sign3A_1 : i1 to i32
    %sign3A_3 = arith.constant 0 : i32
    %sign3A_4 = arith.cmpi slt, %add3A, %sign3A_3 : i32
    %sign3A_5 = arith.extui %sign3A_4 : i1 to i32
    %sign3A_6 = arith.subi %sign3A_2, %sign3A_5 : i32
    %sign3A_7 = arith.constant 0 : i32
    %sign3A_8 = arith.cmpi sgt, %jit3A, %sign3A_7 : i32
    %sign3A_9 = arith.extui %sign3A_8 : i1 to i32
    %sign3A_10 = arith.constant 0 : i32
    %sign3A_11 = arith.cmpi slt, %jit3A, %sign3A_10 : i32
    %sign3A_12 = arith.extui %sign3A_11 : i1 to i32
    %sign3A_13 = arith.subi %sign3A_9, %sign3A_12 : i32
    %ne3A = arith.cmpi ne, %sign3A_6, %sign3A_13 : i32
    %rem3A = arith.remsi %add3A, %jit3A : i32
    %ne3A_14 = arith.constant 0 : i32
    %ne3A_15 = arith.cmpi ne, %rem3A, %ne3A_14 : i32
    %and3A = arith.andi %ne3A, %ne3A_15 : i1
    %sub3A = arith.constant 1 : i32
    %sub3A_16 = arith.subi %div3A, %sub3A : i32
    %select_n3A = arith.select %and3A, %sub3A_16, %div3A : i32
    "tpu.region"() ({
      %run_scoped3A = tpu.sem_alloc : memref<!tpu.dma_semaphore, #tpu.memory_space<semaphore_mem>>
      tpu.enqueue_dma source(%arg2 : memref<1024xf32, #tpu.memory_space<hbm>>) target(%arg4 : memref<1024xf32, #tpu.memory_space<vmem>>) target_semaphore(%run_scoped3A : memref<!tpu.dma_semaphore, #tpu.memory_space<semaphore_mem>>)
      tpu.wait_dma2 semaphore(%run_scoped3A : memref<!tpu.dma_semaphore, #tpu.memory_space<semaphore_mem>>) src(%arg2 : memref<1024xf32, #tpu.memory_space<hbm>>) dst(%arg4 : memref<1024xf32, #tpu.memory_space<vmem>>)
      tpu.yield
    }) : () -> ()
    %mul3A_17 = arith.constant 64 : i32
    %mul3A_18 = arith.muli %select_n3A, %mul3A_17 : i32
    %add3A_19 = arith.constant 0 : i32
    %add3A_20 = arith.addi %mul3A_18, %add3A_19 : i32
    %multiple_of3A = tpu.assume_multiple %add3A_20, 16 : i32
    %get3A = arith.index_cast %multiple_of3A : i32 to index
    %get3A_21 = tpu.vector_load %arg4[%get3A] {strides = array<i32>} : memref<1024xf32, #tpu.memory_space<vmem>>, vector<16xf32>,
    %get3A_22 = vector.shape_cast %get3A_21 : vector<16xf32> to vector<16xf32>
    %mul3A_23 = arith.constant 64 : i32
    %mul3A_24 = arith.muli %select_n3A, %mul3A_23 : i32
    %add3A_25 = arith.constant 16 : i32
    %add3A_26 = arith.addi %mul3A_24, %add3A_25 : i32
    %multiple_of3A_27 = tpu.assume_multiple %add3A_26, 16 : i32
    %get3A_28 = arith.index_cast %multiple_of3A_27 : i32 to index
    %get3A_29 = tpu.vector_load %arg4[%get3A_28] {strides = array<i32>} : memref<1024xf32, #tpu.memory_space<vmem>>, vector<16xf32>,
    %get3A_30 = vector.shape_cast %get3A_29 : vector<16xf32> to vector<16xf32>
    %mul3A_31 = arith.constant 64 : i32
    %mul3A_32 = arith.muli %select_n3A, %mul3A_31 : i32
    %add3A_33 = arith.constant 32 : i32
    %add3A_34 = arith.addi %mul3A_32, %add3A_33 : i32
    %multiple_of3A_35 = tpu.assume_multiple %add3A_34, 16 : i32
    %get3A_36 = arith.index_cast %multiple_of3A_35 : i32 to index
    %get3A_37 = tpu.vector_load %arg4[%get3A_36] {strides = array<i32>} : memref<1024xf32, #tpu.memory_space<vmem>>, vector<16xf32>,
    %get3A_38 = vector.shape_cast %get3A_37 : vector<16xf32> to vector<16xf32>
    %mul3A_39 = arith.constant 64 : i32
    %mul3A_40 = arith.muli %select_n3A, %mul3A_39 : i32
    %add3A_41 = arith.constant 48 : i32
    %add3A_42 = arith.addi %mul3A_40, %add3A_41 : i32
    %multiple_of3A_43 = tpu.assume_multiple %add3A_42, 16 : i32
    %get3A_44 = arith.index_cast %multiple_of3A_43 : i32 to index
    %get3A_45 = tpu.vector_load %arg4[%get3A_44] {strides = array<i32>} : memref<1024xf32, #tpu.memory_space<vmem>>, vector<16xf32>,
    %get3A_46 = vector.shape_cast %get3A_45 : vector<16xf32> to vector<16xf32>
    %slice3A = vector.extract_strided_slice %get3A_22 {offsets = [0], sizes = [1], strides = [1]} : vector<16xf32> to vector<1xf32>
    %squeeze3A = vector.extract %slice3A[0] : f32 from vector<1xf32>
    %broadcast_in_dim3A = vector.broadcast %squeeze3A : f32 to vector<16xf32>
    %slice3A_47 = vector.extract_strided_slice %get3A_46 {offsets = [14], sizes = [1], strides = [1]} : vector<16xf32> to vector<1xf32>
    %squeeze3A_48 = vector.extract %slice3A_47[0] : f32 from vector<1xf32>
    %broadcast_in_dim3A_49 = vector.broadcast %squeeze3A_48 : f32 to vector<16xf32>
    %scan3A = arith.constant 0 : i32
    %scan3A_50 = arith.constant 0 : i32
    %scan3A_51 = arith.constant 257 : i32
    %scan3A_52 = arith.addi %scan3A_50, %scan3A_51 : i32
    %scan3A_53 = arith.constant 1 : i32
    %scan3A_54 = scf.for %scan3A_241 = %scan3A_50 to %scan3A_52 step %scan3A_53 iter_args(%scan3A_242 = %scan3A) -> (i32)  : i32 {
      %mul3A_243 = arith.constant 16 : i32
      %mul3A_244 = arith.muli %scan3A_241, %mul3A_243 : i32
      %add3A_245 = arith.constant 0 : i32
      %add3A_246 = arith.addi %add3A_245, %mul3A_244 : i32
      %multiple_of3A_247 = tpu.assume_multiple %add3A_246, 16 : i32
      %mul3A_248 = arith.constant 16 : i32
      %mul3A_249 = arith.muli %scan3A_241, %mul3A_248 : i32
      %lt3A = arith.constant 2048 : i32
      %lt3A_250 = arith.cmpi slt, %mul3A_249, %lt3A : i32
      %select_n3A_251 = arith.select %lt3A_250, %broadcast_in_dim3A, %broadcast_in_dim3A_49 : vector<16xf32>
      %swap3A_252 = arith.index_cast %multiple_of3A_247 : i32 to index
      %swap3A_253 = tpu.vector_load %arg5[%swap3A_252] {strides = array<i32>} : memref<32896xf32, #tpu.memory_space<vmem>>, vector<16xf32>,
      %swap3A_254 = vector.shape_cast %swap3A_253 : vector<16xf32> to vector<16xf32>
      %swap3A_255 = vector.shape_cast %select_n3A_251 : vector<16xf32> to vector<16xf32>
      tpu.vector_store %arg5[%swap3A_252], %swap3A_255 {strides = array<i32>} : memref<32896xf32, #tpu.memory_space<vmem>>, vector<16xf32>,
      %scan3A_256 = arith.constant 0 : i32
      scf.yield %scan3A_256 : i32
    }
    %scan3A_55 = arith.constant 257 : i32
    %scan3A_56 = arith.constant 0 : i32
    %scan3A_57 = arith.constant 0 : i32
    %scan3A_58 = arith.constant 257 : i32
    %scan3A_59 = arith.addi %scan3A_57, %scan3A_58 : i32
    %scan3A_60 = arith.constant 1 : i32
    %scan3A_61 = scf.for %scan3A_241 = %scan3A_57 to %scan3A_59 step %scan3A_60 iter_args(%scan3A_242 = %scan3A_56) -> (i32)  : i32 {
      %mul3A_243 = arith.constant 16 : i32
      %mul3A_244 = arith.muli %scan3A_241, %mul3A_243 : i32
      %add3A_245 = arith.constant 4112 : i32
      %add3A_246 = arith.addi %add3A_245, %mul3A_244 : i32
      %multiple_of3A_247 = tpu.assume_multiple %add3A_246, 16 : i32
      %mul3A_248 = arith.constant 16 : i32
      %mul3A_249 = arith.muli %scan3A_241, %mul3A_248 : i32
      %lt3A = arith.constant 2048 : i32
      %lt3A_250 = arith.cmpi slt, %mul3A_249, %lt3A : i32
      %select_n3A_251 = arith.select %lt3A_250, %broadcast_in_dim3A, %broadcast_in_dim3A_49 : vector<16xf32>
      %swap3A_252 = arith.index_cast %multiple_of3A_247 : i32 to index
      %swap3A_253 = tpu.vector_load %arg5[%swap3A_252] {strides = array<i32>} : memref<32896xf32, #tpu.memory_space<vmem>>, vector<16xf32>,
      %swap3A_254 = vector.shape_cast %swap3A_253 : vector<16xf32> to vector<16xf32>
      %swap3A_255 = vector.shape_cast %select_n3A_251 : vector<16xf32> to vector<16xf32>
      tpu.vector_store %arg5[%swap3A_252], %swap3A_255 {strides = array<i32>} : memref<32896xf32, #tpu.memory_space<vmem>>, vector<16xf32>,
      %scan3A_256 = arith.constant 0 : i32
      scf.yield %scan3A_256 : i32
    }
    %scan3A_62 = arith.constant 257 : i32
    %scan3A_63 = arith.constant 0 : i32
    %scan3A_64 = arith.constant 0 : i32
    %scan3A_65 = arith.constant 257 : i32
    %scan3A_66 = arith.addi %scan3A_64, %scan3A_65 : i32
    %scan3A_67 = arith.constant 1 : i32
    %scan3A_68 = scf.for %scan3A_241 = %scan3A_64 to %scan3A_66 step %scan3A_67 iter_args(%scan3A_242 = %scan3A_63) -> (i32)  : i32 {
      %mul3A_243 = arith.constant 16 : i32
      %mul3A_244 = arith.muli %scan3A_241, %mul3A_243 : i32
      %add3A_245 = arith.constant 8224 : i32
      %add3A_246 = arith.addi %add3A_245, %mul3A_244 : i32
      %multiple_of3A_247 = tpu.assume_multiple %add3A_246, 16 : i32
      %mul3A_248 = arith.constant 16 : i32
      %mul3A_249 = arith.muli %scan3A_241, %mul3A_248 : i32
      %lt3A = arith.constant 2048 : i32
      %lt3A_250 = arith.cmpi slt, %mul3A_249, %lt3A : i32
      %select_n3A_251 = arith.select %lt3A_250, %broadcast_in_dim3A, %broadcast_in_dim3A_49 : vector<16xf32>
      %swap3A_252 = arith.index_cast %multiple_of3A_247 : i32 to index
      %swap3A_253 = tpu.vector_load %arg5[%swap3A_252] {strides = array<i32>} : memref<32896xf32, #tpu.memory_space<vmem>>, vector<16xf32>,
      %swap3A_254 = vector.shape_cast %swap3A_253 : vector<16xf32> to vector<16xf32>
      %swap3A_255 = vector.shape_cast %select_n3A_251 : vector<16xf32> to vector<16xf32>
      tpu.vector_store %arg5[%swap3A_252], %swap3A_255 {strides = array<i32>} : memref<32896xf32, #tpu.memory_space<vmem>>, vector<16xf32>,
      %scan3A_256 = arith.constant 0 : i32
      scf.yield %scan3A_256 : i32
    }
    %scan3A_69 = arith.constant 257 : i32
    %scan3A_70 = arith.constant 0 : i32
    %scan3A_71 = arith.constant 0 : i32
    %scan3A_72 = arith.constant 257 : i32
    %scan3A_73 = arith.addi %scan3A_71, %scan3A_72 : i32
    %scan3A_74 = arith.constant 1 : i32
    %scan3A_75 = scf.for %scan3A_241 = %scan3A_71 to %scan3A_73 step %scan3A_74 iter_args(%scan3A_242 = %scan3A_70) -> (i32)  : i32 {
      %mul3A_243 = arith.constant 16 : i32
      %mul3A_244 = arith.muli %scan3A_241, %mul3A_243 : i32
      %add3A_245 = arith.constant 12336 : i32
      %add3A_246 = arith.addi %add3A_245, %mul3A_244 : i32
      %multiple_of3A_247 = tpu.assume_multiple %add3A_246, 16 : i32
      %mul3A_248 = arith.constant 16 : i32
      %mul3A_249 = arith.muli %scan3A_241, %mul3A_248 : i32
      %lt3A = arith.constant 2048 : i32
      %lt3A_250 = arith.cmpi slt, %mul3A_249, %lt3A : i32
      %select_n3A_251 = arith.select %lt3A_250, %broadcast_in_dim3A, %broadcast_in_dim3A_49 : vector<16xf32>
      %swap3A_252 = arith.index_cast %multiple_of3A_247 : i32 to index
      %swap3A_253 = tpu.vector_load %arg5[%swap3A_252] {strides = array<i32>} : memref<32896xf32, #tpu.memory_space<vmem>>, vector<16xf32>,
      %swap3A_254 = vector.shape_cast %swap3A_253 : vector<16xf32> to vector<16xf32>
      %swap3A_255 = vector.shape_cast %select_n3A_251 : vector<16xf32> to vector<16xf32>
      tpu.vector_store %arg5[%swap3A_252], %swap3A_255 {strides = array<i32>} : memref<32896xf32, #tpu.memory_space<vmem>>, vector<16xf32>,
      %scan3A_256 = arith.constant 0 : i32
      scf.yield %scan3A_256 : i32
    }
    %scan3A_76 = arith.constant 257 : i32
    %scan3A_77 = arith.constant 0 : i32
    %scan3A_78 = arith.constant 0 : i32
    %scan3A_79 = arith.constant 257 : i32
    %scan3A_80 = arith.addi %scan3A_78, %scan3A_79 : i32
    %scan3A_81 = arith.constant 1 : i32
    %scan3A_82 = scf.for %scan3A_241 = %scan3A_78 to %scan3A_80 step %scan3A_81 iter_args(%scan3A_242 = %scan3A_77) -> (i32)  : i32 {
      %mul3A_243 = arith.constant 16 : i32
      %mul3A_244 = arith.muli %scan3A_241, %mul3A_243 : i32
      %add3A_245 = arith.constant 16448 : i32
      %add3A_246 = arith.addi %add3A_245, %mul3A_244 : i32
      %multiple_of3A_247 = tpu.assume_multiple %add3A_246, 16 : i32
      %mul3A_248 = arith.constant 16 : i32
      %mul3A_249 = arith.muli %scan3A_241, %mul3A_248 : i32
      %lt3A = arith.constant 2048 : i32
      %lt3A_250 = arith.cmpi slt, %mul3A_249, %lt3A : i32
      %select_n3A_251 = arith.select %lt3A_250, %broadcast_in_dim3A, %broadcast_in_dim3A_49 : vector<16xf32>
      %swap3A_252 = arith.index_cast %multiple_of3A_247 : i32 to index
      %swap3A_253 = tpu.vector_load %arg5[%swap3A_252] {strides = array<i32>} : memref<32896xf32, #tpu.memory_space<vmem>>, vector<16xf32>,
      %swap3A_254 = vector.shape_cast %swap3A_253 : vector<16xf32> to vector<16xf32>
      %swap3A_255 = vector.shape_cast %select_n3A_251 : vector<16xf32> to vector<16xf32>
      tpu.vector_store %arg5[%swap3A_252], %swap3A_255 {strides = array<i32>} : memref<32896xf32, #tpu.memory_space<vmem>>, vector<16xf32>,
      %scan3A_256 = arith.constant 0 : i32
      scf.yield %scan3A_256 : i32
    }
    %scan3A_83 = arith.constant 257 : i32
    %scan3A_84 = arith.constant 0 : i32
    %scan3A_85 = arith.constant 0 : i32
    %scan3A_86 = arith.constant 257 : i32
    %scan3A_87 = arith.addi %scan3A_85, %scan3A_86 : i32
    %scan3A_88 = arith.constant 1 : i32
    %scan3A_89 = scf.for %scan3A_241 = %scan3A_85 to %scan3A_87 step %scan3A_88 iter_args(%scan3A_242 = %scan3A_84) -> (i32)  : i32 {
      %mul3A_243 = arith.constant 16 : i32
      %mul3A_244 = arith.muli %scan3A_241, %mul3A_243 : i32
      %add3A_245 = arith.constant 20560 : i32
      %add3A_246 = arith.addi %add3A_245, %mul3A_244 : i32
      %multiple_of3A_247 = tpu.assume_multiple %add3A_246, 16 : i32
      %mul3A_248 = arith.constant 16 : i32
      %mul3A_249 = arith.muli %scan3A_241, %mul3A_248 : i32
      %lt3A = arith.constant 2048 : i32
      %lt3A_250 = arith.cmpi slt, %mul3A_249, %lt3A : i32
      %select_n3A_251 = arith.select %lt3A_250, %broadcast_in_dim3A, %broadcast_in_dim3A_49 : vector<16xf32>
      %swap3A_252 = arith.index_cast %multiple_of3A_247 : i32 to index
      %swap3A_253 = tpu.vector_load %arg5[%swap3A_252] {strides = array<i32>} : memref<32896xf32, #tpu.memory_space<vmem>>, vector<16xf32>,
      %swap3A_254 = vector.shape_cast %swap3A_253 : vector<16xf32> to vector<16xf32>
      %swap3A_255 = vector.shape_cast %select_n3A_251 : vector<16xf32> to vector<16xf32>
      tpu.vector_store %arg5[%swap3A_252], %swap3A_255 {strides = array<i32>} : memref<32896xf32, #tpu.memory_space<vmem>>, vector<16xf32>,
      %scan3A_256 = arith.constant 0 : i32
      scf.yield %scan3A_256 : i32
    }
    %scan3A_90 = arith.constant 257 : i32
    %scan3A_91 = arith.constant 0 : i32
    %scan3A_92 = arith.constant 0 : i32
    %scan3A_93 = arith.constant 257 : i32
    %scan3A_94 = arith.addi %scan3A_92, %scan3A_93 : i32
    %scan3A_95 = arith.constant 1 : i32
    %scan3A_96 = scf.for %scan3A_241 = %scan3A_92 to %scan3A_94 step %scan3A_95 iter_args(%scan3A_242 = %scan3A_91) -> (i32)  : i32 {
      %mul3A_243 = arith.constant 16 : i32
      %mul3A_244 = arith.muli %scan3A_241, %mul3A_243 : i32
      %add3A_245 = arith.constant 24672 : i32
      %add3A_246 = arith.addi %add3A_245, %mul3A_244 : i32
      %multiple_of3A_247 = tpu.assume_multiple %add3A_246, 16 : i32
      %mul3A_248 = arith.constant 16 : i32
      %mul3A_249 = arith.muli %scan3A_241, %mul3A_248 : i32
      %lt3A = arith.constant 2048 : i32
      %lt3A_250 = arith.cmpi slt, %mul3A_249, %lt3A : i32
      %select_n3A_251 = arith.select %lt3A_250, %broadcast_in_dim3A, %broadcast_in_dim3A_49 : vector<16xf32>
      %swap3A_252 = arith.index_cast %multiple_of3A_247 : i32 to index
      %swap3A_253 = tpu.vector_load %arg5[%swap3A_252] {strides = array<i32>} : memref<32896xf32, #tpu.memory_space<vmem>>, vector<16xf32>,
      %swap3A_254 = vector.shape_cast %swap3A_253 : vector<16xf32> to vector<16xf32>
      %swap3A_255 = vector.shape_cast %select_n3A_251 : vector<16xf32> to vector<16xf32>
      tpu.vector_store %arg5[%swap3A_252], %swap3A_255 {strides = array<i32>} : memref<32896xf32, #tpu.memory_space<vmem>>, vector<16xf32>,
      %scan3A_256 = arith.constant 0 : i32
      scf.yield %scan3A_256 : i32
    }
    %scan3A_97 = arith.constant 257 : i32
    %scan3A_98 = arith.constant 0 : i32
    %scan3A_99 = arith.constant 0 : i32
    %scan3A_100 = arith.constant 257 : i32
    %scan3A_101 = arith.addi %scan3A_99, %scan3A_100 : i32
    %scan3A_102 = arith.constant 1 : i32
    %scan3A_103 = scf.for %scan3A_241 = %scan3A_99 to %scan3A_101 step %scan3A_102 iter_args(%scan3A_242 = %scan3A_98) -> (i32)  : i32 {
      %mul3A_243 = arith.constant 16 : i32
      %mul3A_244 = arith.muli %scan3A_241, %mul3A_243 : i32
      %add3A_245 = arith.constant 28784 : i32
      %add3A_246 = arith.addi %add3A_245, %mul3A_244 : i32
      %multiple_of3A_247 = tpu.assume_multiple %add3A_246, 16 : i32
      %mul3A_248 = arith.constant 16 : i32
      %mul3A_249 = arith.muli %scan3A_241, %mul3A_248 : i32
      %lt3A = arith.constant 2048 : i32
      %lt3A_250 = arith.cmpi slt, %mul3A_249, %lt3A : i32
      %select_n3A_251 = arith.select %lt3A_250, %broadcast_in_dim3A, %broadcast_in_dim3A_49 : vector<16xf32>
      %swap3A_252 = arith.index_cast %multiple_of3A_247 : i32 to index
      %swap3A_253 = tpu.vector_load %arg5[%swap3A_252] {strides = array<i32>} : memref<32896xf32, #tpu.memory_space<vmem>>, vector<16xf32>,
      %swap3A_254 = vector.shape_cast %swap3A_253 : vector<16xf32> to vector<16xf32>
      %swap3A_255 = vector.shape_cast %select_n3A_251 : vector<16xf32> to vector<16xf32>
      tpu.vector_store %arg5[%swap3A_252], %swap3A_255 {strides = array<i32>} : memref<32896xf32, #tpu.memory_space<vmem>>, vector<16xf32>,
      %scan3A_256 = arith.constant 0 : i32
      scf.yield %scan3A_256 : i32
    }
    %scan3A_104 = arith.constant 257 : i32
    %swap3A = arith.constant 2016 : index
    %swap3A_105 = tpu.vector_load %arg5[%swap3A] {strides = array<i32>} : memref<32896xf32, #tpu.memory_space<vmem>>, vector<16xf32>,
    %swap3A_106 = vector.shape_cast %swap3A_105 : vector<16xf32> to vector<16xf32>
    %swap3A_107 = vector.shape_cast %get3A_22 : vector<16xf32> to vector<16xf32>
    tpu.vector_store %arg5[%swap3A], %swap3A_107 {strides = array<i32>} : memref<32896xf32, #tpu.memory_space<vmem>>, vector<16xf32>,
    %swap3A_108 = arith.constant 2032 : index
    %swap3A_109 = tpu.vector_load %arg5[%swap3A_108] {strides = array<i32>} : memref<32896xf32, #tpu.memory_space<vmem>>, vector<16xf32>,
    %swap3A_110 = vector.shape_cast %swap3A_109 : vector<16xf32> to vector<16xf32>
    %swap3A_111 = vector.shape_cast %get3A_30 : vector<16xf32> to vector<16xf32>
    tpu.vector_store %arg5[%swap3A_108], %swap3A_111 {strides = array<i32>} : memref<32896xf32, #tpu.memory_space<vmem>>, vector<16xf32>,
    %swap3A_112 = arith.constant 2048 : index
    %swap3A_113 = tpu.vector_load %arg5[%swap3A_112] {strides = array<i32>} : memref<32896xf32, #tpu.memory_space<vmem>>, vector<16xf32>,
    %swap3A_114 = vector.shape_cast %swap3A_113 : vector<16xf32> to vector<16xf32>
    %swap3A_115 = vector.shape_cast %get3A_38 : vector<16xf32> to vector<16xf32>
    tpu.vector_store %arg5[%swap3A_112], %swap3A_115 {strides = array<i32>} : memref<32896xf32, #tpu.memory_space<vmem>>, vector<16xf32>,
    %swap3A_116 = arith.constant 2064 : index
    %swap3A_117 = tpu.vector_load %arg5[%swap3A_116] {strides = array<i32>} : memref<32896xf32, #tpu.memory_space<vmem>>, vector<16xf32>,
    %swap3A_118 = vector.shape_cast %swap3A_117 : vector<16xf32> to vector<16xf32>
    %swap3A_119 = vector.shape_cast %get3A_46 : vector<16xf32> to vector<16xf32>
    tpu.vector_store %arg5[%swap3A_116], %swap3A_119 {strides = array<i32>} : memref<32896xf32, #tpu.memory_space<vmem>>, vector<16xf32>,
    %swap3A_120 = arith.constant 6127 : index
    %swap3A_121 = tpu.vector_load %arg5[%swap3A_120] {strides = array<i32>} : memref<32896xf32, #tpu.memory_space<vmem>>, vector<16xf32>,
    %swap3A_122 = vector.shape_cast %swap3A_121 : vector<16xf32> to vector<16xf32>
    %swap3A_123 = vector.shape_cast %get3A_22 : vector<16xf32> to vector<16xf32>
    tpu.vector_store %arg5[%swap3A_120], %swap3A_123 {strides = array<i32>} : memref<32896xf32, #tpu.memory_space<vmem>>, vector<16xf32>,
    %swap3A_124 = arith.constant 6143 : index
    %swap3A_125 = tpu.vector_load %arg5[%swap3A_124] {strides = array<i32>} : memref<32896xf32, #tpu.memory_space<vmem>>, vector<16xf32>,
    %swap3A_126 = vector.shape_cast %swap3A_125 : vector<16xf32> to vector<16xf32>
    %swap3A_127 = vector.shape_cast %get3A_30 : vector<16xf32> to vector<16xf32>
    tpu.vector_store %arg5[%swap3A_124], %swap3A_127 {strides = array<i32>} : memref<32896xf32, #tpu.memory_space<vmem>>, vector<16xf32>,
    %swap3A_128 = arith.constant 6159 : index
    %swap3A_129 = tpu.vector_load %arg5[%swap3A_128] {strides = array<i32>} : memref<32896xf32, #tpu.memory_space<vmem>>, vector<16xf32>,
    %swap3A_130 = vector.shape_cast %swap3A_129 : vector<16xf32> to vector<16xf32>
    %swap3A_131 = vector.shape_cast %get3A_38 : vector<16xf32> to vector<16xf32>
    tpu.vector_store %arg5[%swap3A_128], %swap3A_131 {strides = array<i32>} : memref<32896xf32, #tpu.memory_space<vmem>>, vector<16xf32>,
    %swap3A_132 = arith.constant 6175 : index
    %swap3A_133 = tpu.vector_load %arg5[%swap3A_132] {strides = array<i32>} : memref<32896xf32, #tpu.memory_space<vmem>>, vector<16xf32>,
    %swap3A_134 = vector.shape_cast %swap3A_133 : vector<16xf32> to vector<16xf32>
    %swap3A_135 = vector.shape_cast %get3A_46 : vector<16xf32> to vector<16xf32>
    tpu.vector_store %arg5[%swap3A_132], %swap3A_135 {strides = array<i32>} : memref<32896xf32, #tpu.memory_space<vmem>>, vector<16xf32>,
    %swap3A_136 = arith.constant 10238 : index
    %swap3A_137 = tpu.vector_load %arg5[%swap3A_136] {strides = array<i32>} : memref<32896xf32, #tpu.memory_space<vmem>>, vector<16xf32>,
    %swap3A_138 = vector.shape_cast %swap3A_137 : vector<16xf32> to vector<16xf32>
    %swap3A_139 = vector.shape_cast %get3A_22 : vector<16xf32> to vector<16xf32>
    tpu.vector_store %arg5[%swap3A_136], %swap3A_139 {strides = array<i32>} : memref<32896xf32, #tpu.memory_space<vmem>>, vector<16xf32>,
    %swap3A_140 = arith.constant 10254 : index
    %swap3A_141 = tpu.vector_load %arg5[%swap3A_140] {strides = array<i32>} : memref<32896xf32, #tpu.memory_space<vmem>>, vector<16xf32>,
    %swap3A_142 = vector.shape_cast %swap3A_141 : vector<16xf32> to vector<16xf32>
    %swap3A_143 = vector.shape_cast %get3A_30 : vector<16xf32> to vector<16xf32>
    tpu.vector_store %arg5[%swap3A_140], %swap3A_143 {strides = array<i32>} : memref<32896xf32, #tpu.memory_space<vmem>>, vector<16xf32>,
    %swap3A_144 = arith.constant 10270 : index
    %swap3A_145 = tpu.vector_load %arg5[%swap3A_144] {strides = array<i32>} : memref<32896xf32, #tpu.memory_space<vmem>>, vector<16xf32>,
    %swap3A_146 = vector.shape_cast %swap3A_145 : vector<16xf32> to vector<16xf32>
    %swap3A_147 = vector.shape_cast %get3A_38 : vector<16xf32> to vector<16xf32>
    tpu.vector_store %arg5[%swap3A_144], %swap3A_147 {strides = array<i32>} : memref<32896xf32, #tpu.memory_space<vmem>>, vector<16xf32>,
    %swap3A_148 = arith.constant 10286 : index
    %swap3A_149 = tpu.vector_load %arg5[%swap3A_148] {strides = array<i32>} : memref<32896xf32, #tpu.memory_space<vmem>>, vector<16xf32>,
    %swap3A_150 = vector.shape_cast %swap3A_149 : vector<16xf32> to vector<16xf32>
    %swap3A_151 = vector.shape_cast %get3A_46 : vector<16xf32> to vector<16xf32>
    tpu.vector_store %arg5[%swap3A_148], %swap3A_151 {strides = array<i32>} : memref<32896xf32, #tpu.memory_space<vmem>>, vector<16xf32>,
    %swap3A_152 = arith.constant 14349 : index
    %swap3A_153 = tpu.vector_load %arg5[%swap3A_152] {strides = array<i32>} : memref<32896xf32, #tpu.memory_space<vmem>>, vector<16xf32>,
    %swap3A_154 = vector.shape_cast %swap3A_153 : vector<16xf32> to vector<16xf32>
    %swap3A_155 = vector.shape_cast %get3A_22 : vector<16xf32> to vector<16xf32>
    tpu.vector_store %arg5[%swap3A_152], %swap3A_155 {strides = array<i32>} : memref<32896xf32, #tpu.memory_space<vmem>>, vector<16xf32>,
    %swap3A_156 = arith.constant 14365 : index
    %swap3A_157 = tpu.vector_load %arg5[%swap3A_156] {strides = array<i32>} : memref<32896xf32, #tpu.memory_space<vmem>>, vector<16xf32>,
    %swap3A_158 = vector.shape_cast %swap3A_157 : vector<16xf32> to vector<16xf32>
    %swap3A_159 = vector.shape_cast %get3A_30 : vector<16xf32> to vector<16xf32>
    tpu.vector_store %arg5[%swap3A_156], %swap3A_159 {strides = array<i32>} : memref<32896xf32, #tpu.memory_space<vmem>>, vector<16xf32>,
    %swap3A_160 = arith.constant 14381 : index
    %swap3A_161 = tpu.vector_load %arg5[%swap3A_160] {strides = array<i32>} : memref<32896xf32, #tpu.memory_space<vmem>>, vector<16xf32>,
    %swap3A_162 = vector.shape_cast %swap3A_161 : vector<16xf32> to vector<16xf32>
    %swap3A_163 = vector.shape_cast %get3A_38 : vector<16xf32> to vector<16xf32>
    tpu.vector_store %arg5[%swap3A_160], %swap3A_163 {strides = array<i32>} : memref<32896xf32, #tpu.memory_space<vmem>>, vector<16xf32>,
    %swap3A_164 = arith.constant 14397 : index
    %swap3A_165 = tpu.vector_load %arg5[%swap3A_164] {strides = array<i32>} : memref<32896xf32, #tpu.memory_space<vmem>>, vector<16xf32>,
    %swap3A_166 = vector.shape_cast %swap3A_165 : vector<16xf32> to vector<16xf32>
    %swap3A_167 = vector.shape_cast %get3A_46 : vector<16xf32> to vector<16xf32>
    tpu.vector_store %arg5[%swap3A_164], %swap3A_167 {strides = array<i32>} : memref<32896xf32, #tpu.memory_space<vmem>>, vector<16xf32>,
    %swap3A_168 = arith.constant 18460 : index
    %swap3A_169 = tpu.vector_load %arg5[%swap3A_168] {strides = array<i32>} : memref<32896xf32, #tpu.memory_space<vmem>>, vector<16xf32>,
    %swap3A_170 = vector.shape_cast %swap3A_169 : vector<16xf32> to vector<16xf32>
    %swap3A_171 = vector.shape_cast %get3A_22 : vector<16xf32> to vector<16xf32>
    tpu.vector_store %arg5[%swap3A_168], %swap3A_171 {strides = array<i32>} : memref<32896xf32, #tpu.memory_space<vmem>>, vector<16xf32>,
    %swap3A_172 = arith.constant 18476 : index
    %swap3A_173 = tpu.vector_load %arg5[%swap3A_172] {strides = array<i32>} : memref<32896xf32, #tpu.memory_space<vmem>>, vector<16xf32>,
    %swap3A_174 = vector.shape_cast %swap3A_173 : vector<16xf32> to vector<16xf32>
    %swap3A_175 = vector.shape_cast %get3A_30 : vector<16xf32> to vector<16xf32>
    tpu.vector_store %arg5[%swap3A_172], %swap3A_175 {strides = array<i32>} : memref<32896xf32, #tpu.memory_space<vmem>>, vector<16xf32>,
    %swap3A_176 = arith.constant 18492 : index
    %swap3A_177 = tpu.vector_load %arg5[%swap3A_176] {strides = array<i32>} : memref<32896xf32, #tpu.memory_space<vmem>>, vector<16xf32>,
    %swap3A_178 = vector.shape_cast %swap3A_177 : vector<16xf32> to vector<16xf32>
    %swap3A_179 = vector.shape_cast %get3A_38 : vector<16xf32> to vector<16xf32>
    tpu.vector_store %arg5[%swap3A_176], %swap3A_179 {strides = array<i32>} : memref<32896xf32, #tpu.memory_space<vmem>>, vector<16xf32>,
    %swap3A_180 = arith.constant 18508 : index
    %swap3A_181 = tpu.vector_load %arg5[%swap3A_180] {strides = array<i32>} : memref<32896xf32, #tpu.memory_space<vmem>>, vector<16xf32>,
    %swap3A_182 = vector.shape_cast %swap3A_181 : vector<16xf32> to vector<16xf32>
    %swap3A_183 = vector.shape_cast %get3A_46 : vector<16xf32> to vector<16xf32>
    tpu.vector_store %arg5[%swap3A_180], %swap3A_183 {strides = array<i32>} : memref<32896xf32, #tpu.memory_space<vmem>>, vector<16xf32>,
    %swap3A_184 = arith.constant 22571 : index
    %swap3A_185 = tpu.vector_load %arg5[%swap3A_184] {strides = array<i32>} : memref<32896xf32, #tpu.memory_space<vmem>>, vector<16xf32>,
    %swap3A_186 = vector.shape_cast %swap3A_185 : vector<16xf32> to vector<16xf32>
    %swap3A_187 = vector.shape_cast %get3A_22 : vector<16xf32> to vector<16xf32>
    tpu.vector_store %arg5[%swap3A_184], %swap3A_187 {strides = array<i32>} : memref<32896xf32, #tpu.memory_space<vmem>>, vector<16xf32>,
    %swap3A_188 = arith.constant 22587 : index
    %swap3A_189 = tpu.vector_load %arg5[%swap3A_188] {strides = array<i32>} : memref<32896xf32, #tpu.memory_space<vmem>>, vector<16xf32>,
    %swap3A_190 = vector.shape_cast %swap3A_189 : vector<16xf32> to vector<16xf32>
    %swap3A_191 = vector.shape_cast %get3A_30 : vector<16xf32> to vector<16xf32>
    tpu.vector_store %arg5[%swap3A_188], %swap3A_191 {strides = array<i32>} : memref<32896xf32, #tpu.memory_space<vmem>>, vector<16xf32>,
    %swap3A_192 = arith.constant 22603 : index
    %swap3A_193 = tpu.vector_load %arg5[%swap3A_192] {strides = array<i32>} : memref<32896xf32, #tpu.memory_space<vmem>>, vector<16xf32>,
    %swap3A_194 = vector.shape_cast %swap3A_193 : vector<16xf32> to vector<16xf32>
    %swap3A_195 = vector.shape_cast %get3A_38 : vector<16xf32> to vector<16xf32>
    tpu.vector_store %arg5[%swap3A_192], %swap3A_195 {strides = array<i32>} : memref<32896xf32, #tpu.memory_space<vmem>>, vector<16xf32>,
    %swap3A_196 = arith.constant 22619 : index
    %swap3A_197 = tpu.vector_load %arg5[%swap3A_196] {strides = array<i32>} : memref<32896xf32, #tpu.memory_space<vmem>>, vector<16xf32>,
    %swap3A_198 = vector.shape_cast %swap3A_197 : vector<16xf32> to vector<16xf32>
    %swap3A_199 = vector.shape_cast %get3A_46 : vector<16xf32> to vector<16xf32>
    tpu.vector_store %arg5[%swap3A_196], %swap3A_199 {strides = array<i32>} : memref<32896xf32, #tpu.memory_space<vmem>>, vector<16xf32>,
    %swap3A_200 = arith.constant 26682 : index
    %swap3A_201 = tpu.vector_load %arg5[%swap3A_200] {strides = array<i32>} : memref<32896xf32, #tpu.memory_space<vmem>>, vector<16xf32>,
    %swap3A_202 = vector.shape_cast %swap3A_201 : vector<16xf32> to vector<16xf32>
    %swap3A_203 = vector.shape_cast %get3A_22 : vector<16xf32> to vector<16xf32>
    tpu.vector_store %arg5[%swap3A_200], %swap3A_203 {strides = array<i32>} : memref<32896xf32, #tpu.memory_space<vmem>>, vector<16xf32>,
    %swap3A_204 = arith.constant 26698 : index
    %swap3A_205 = tpu.vector_load %arg5[%swap3A_204] {strides = array<i32>} : memref<32896xf32, #tpu.memory_space<vmem>>, vector<16xf32>,
    %swap3A_206 = vector.shape_cast %swap3A_205 : vector<16xf32> to vector<16xf32>
    %swap3A_207 = vector.shape_cast %get3A_30 : vector<16xf32> to vector<16xf32>
    tpu.vector_store %arg5[%swap3A_204], %swap3A_207 {strides = array<i32>} : memref<32896xf32, #tpu.memory_space<vmem>>, vector<16xf32>,
    %swap3A_208 = arith.constant 26714 : index
    %swap3A_209 = tpu.vector_load %arg5[%swap3A_208] {strides = array<i32>} : memref<32896xf32, #tpu.memory_space<vmem>>, vector<16xf32>,
    %swap3A_210 = vector.shape_cast %swap3A_209 : vector<16xf32> to vector<16xf32>
    %swap3A_211 = vector.shape_cast %get3A_38 : vector<16xf32> to vector<16xf32>
    tpu.vector_store %arg5[%swap3A_208], %swap3A_211 {strides = array<i32>} : memref<32896xf32, #tpu.memory_space<vmem>>, vector<16xf32>,
    %swap3A_212 = arith.constant 26730 : index
    %swap3A_213 = tpu.vector_load %arg5[%swap3A_212] {strides = array<i32>} : memref<32896xf32, #tpu.memory_space<vmem>>, vector<16xf32>,
    %swap3A_214 = vector.shape_cast %swap3A_213 : vector<16xf32> to vector<16xf32>
    %swap3A_215 = vector.shape_cast %get3A_46 : vector<16xf32> to vector<16xf32>
    tpu.vector_store %arg5[%swap3A_212], %swap3A_215 {strides = array<i32>} : memref<32896xf32, #tpu.memory_space<vmem>>, vector<16xf32>,
    %swap3A_216 = arith.constant 30793 : index
    %swap3A_217 = tpu.vector_load %arg5[%swap3A_216] {strides = array<i32>} : memref<32896xf32, #tpu.memory_space<vmem>>, vector<16xf32>,
    %swap3A_218 = vector.shape_cast %swap3A_217 : vector<16xf32> to vector<16xf32>
    %swap3A_219 = vector.shape_cast %get3A_22 : vector<16xf32> to vector<16xf32>
    tpu.vector_store %arg5[%swap3A_216], %swap3A_219 {strides = array<i32>} : memref<32896xf32, #tpu.memory_space<vmem>>, vector<16xf32>,
    %swap3A_220 = arith.constant 30809 : index
    %swap3A_221 = tpu.vector_load %arg5[%swap3A_220] {strides = array<i32>} : memref<32896xf32, #tpu.memory_space<vmem>>, vector<16xf32>,
    %swap3A_222 = vector.shape_cast %swap3A_221 : vector<16xf32> to vector<16xf32>
    %swap3A_223 = vector.shape_cast %get3A_30 : vector<16xf32> to vector<16xf32>
    tpu.vector_store %arg5[%swap3A_220], %swap3A_223 {strides = array<i32>} : memref<32896xf32, #tpu.memory_space<vmem>>, vector<16xf32>,
    %swap3A_224 = arith.constant 30825 : index
    %swap3A_225 = tpu.vector_load %arg5[%swap3A_224] {strides = array<i32>} : memref<32896xf32, #tpu.memory_space<vmem>>, vector<16xf32>,
    %swap3A_226 = vector.shape_cast %swap3A_225 : vector<16xf32> to vector<16xf32>
    %swap3A_227 = vector.shape_cast %get3A_38 : vector<16xf32> to vector<16xf32>
    tpu.vector_store %arg5[%swap3A_224], %swap3A_227 {strides = array<i32>} : memref<32896xf32, #tpu.memory_space<vmem>>, vector<16xf32>,
    %swap3A_228 = arith.constant 30841 : index
    %swap3A_229 = tpu.vector_load %arg5[%swap3A_228] {strides = array<i32>} : memref<32896xf32, #tpu.memory_space<vmem>>, vector<16xf32>,
    %swap3A_230 = vector.shape_cast %swap3A_229 : vector<16xf32> to vector<16xf32>
    %swap3A_231 = vector.shape_cast %get3A_46 : vector<16xf32> to vector<16xf32>
    tpu.vector_store %arg5[%swap3A_228], %swap3A_231 {strides = array<i32>} : memref<32896xf32, #tpu.memory_space<vmem>>, vector<16xf32>,
    %mul3A_232 = arith.constant 1024 : i32
    %mul3A_233 = arith.muli %add3A, %mul3A_232 : i32
    %scan3A_234 = arith.constant 0 : i32
    %scan3A_235 = arith.constant 0 : i32
    %scan3A_236 = arith.constant 64 : i32
    %scan3A_237 = arith.addi %scan3A_235, %scan3A_236 : i32
    %scan3A_238 = arith.constant 1 : i32
    %scan3A_239 = scf.for %scan3A_241 = %scan3A_235 to %scan3A_237 step %scan3A_238 iter_args(%scan3A_242 = %scan3A_234) -> (i32)  : i32 {
      %mul3A_243 = arith.constant 16 : i32
      %mul3A_244 = arith.muli %scan3A_241, %mul3A_243 : i32
      %add3A_245 = arith.addi %mul3A_233, %mul3A_244 : i32
      %rem3A_246 = arith.constant 2048 : i32
      %rem3A_247 = arith.remsi %add3A_245, %rem3A_246 : i32
      %add3A_248 = arith.constant 0 : i32
      %add3A_249 = arith.addi %rem3A_247, %add3A_248 : i32
      %sub3A_250 = arith.constant 2040 : i32
      %sub3A_251 = arith.subi %sub3A_250, %add3A_249 : i32
      %add3A_252 = arith.constant 28784 : i32
      %add3A_253 = arith.addi %add3A_252, %sub3A_251 : i32
      %multiple_of3A_254 = tpu.assume_multiple %add3A_253, 8 : i32
      %add3A_255 = arith.constant 0 : i32
      %add3A_256 = arith.addi %add3A_245, %add3A_255 : i32
      %add3A_257 = arith.constant 0 : i32
      %add3A_258 = arith.addi %add3A_256, %add3A_257 : i32
      %mul3A_259 = arith.constant 2048 : i32
      %mul3A_260 = arith.muli %add3A_258, %mul3A_259 : i32
      %multiple_of3A_261 = tpu.assume_multiple %mul3A_260, 8 : i32
      %dma_start3A = tpu.memref_slice %arg5[%multiple_of3A_254] : memref<32896xf32, #tpu.memory_space<vmem>> -> memref<2048xf32, #tpu.memory_space<vmem>>
      %dma_start3A_262 = tpu.memref_slice %arg3[%multiple_of3A_261] : memref<67108864xf32, #tpu.memory_space<hbm>> -> memref<2048xf32, #tpu.memory_space<hbm>>
      %dma_start3A_263 = tpu.memref_slice %arg3[%multiple_of3A_261] : memref<67108864xf32, #tpu.memory_space<hbm>> -> memref<2048xf32, #tpu.memory_space<hbm>>
      %dma_start3A_264 = tpu.memref_slice %arg5[%multiple_of3A_254] : memref<32896xf32, #tpu.memory_space<vmem>> -> memref<2048xf32, #tpu.memory_space<vmem>>
      tpu.enqueue_dma source(%dma_start3A_264 : memref<2048xf32, #tpu.memory_space<vmem>>) target(%dma_start3A_263 : memref<2048xf32, #tpu.memory_space<hbm>>) target_semaphore(%arg6 : memref<!tpu.dma_semaphore, #tpu.memory_space<semaphore_mem>>)
      %add3A_265 = arith.constant 24672 : i32
      %add3A_266 = arith.addi %add3A_265, %sub3A_251 : i32
      %multiple_of3A_267 = tpu.assume_multiple %add3A_266, 8 : i32
      %add3A_268 = arith.constant 0 : i32
      %add3A_269 = arith.addi %add3A_245, %add3A_268 : i32
      %add3A_270 = arith.constant 1 : i32
      %add3A_271 = arith.addi %add3A_269, %add3A_270 : i32
      %mul3A_272 = arith.constant 2048 : i32
      %mul3A_273 = arith.muli %add3A_271, %mul3A_272 : i32
      %multiple_of3A_274 = tpu.assume_multiple %mul3A_273, 8 : i32
      %dma_start3A_275 = tpu.memref_slice %arg5[%multiple_of3A_267] : memref<32896xf32, #tpu.memory_space<vmem>> -> memref<2048xf32, #tpu.memory_space<vmem>>
      %dma_start3A_276 = tpu.memref_slice %arg3[%multiple_of3A_274] : memref<67108864xf32, #tpu.memory_space<hbm>> -> memref<2048xf32, #tpu.memory_space<hbm>>
      %dma_start3A_277 = tpu.memref_slice %arg3[%multiple_of3A_274] : memref<67108864xf32, #tpu.memory_space<hbm>> -> memref<2048xf32, #tpu.memory_space<hbm>>
      %dma_start3A_278 = tpu.memref_slice %arg5[%multiple_of3A_267] : memref<32896xf32, #tpu.memory_space<vmem>> -> memref<2048xf32, #tpu.memory_space<vmem>>
      tpu.enqueue_dma source(%dma_start3A_278 : memref<2048xf32, #tpu.memory_space<vmem>>) target(%dma_start3A_277 : memref<2048xf32, #tpu.memory_space<hbm>>) target_semaphore(%arg6 : memref<!tpu.dma_semaphore, #tpu.memory_space<semaphore_mem>>)
      %add3A_279 = arith.constant 20560 : i32
      %add3A_280 = arith.addi %add3A_279, %sub3A_251 : i32
      %multiple_of3A_281 = tpu.assume_multiple %add3A_280, 8 : i32
      %add3A_282 = arith.constant 0 : i32
      %add3A_283 = arith.addi %add3A_245, %add3A_282 : i32
      %add3A_284 = arith.constant 2 : i32
      %add3A_285 = arith.addi %add3A_283, %add3A_284 : i32
      %mul3A_286 = arith.constant 2048 : i32
      %mul3A_287 = arith.muli %add3A_285, %mul3A_286 : i32
      %multiple_of3A_288 = tpu.assume_multiple %mul3A_287, 8 : i32
      %dma_start3A_289 = tpu.memref_slice %arg5[%multiple_of3A_281] : memref<32896xf32, #tpu.memory_space<vmem>> -> memref<2048xf32, #tpu.memory_space<vmem>>
      %dma_start3A_290 = tpu.memref_slice %arg3[%multiple_of3A_288] : memref<67108864xf32, #tpu.memory_space<hbm>> -> memref<2048xf32, #tpu.memory_space<hbm>>
      %dma_start3A_291 = tpu.memref_slice %arg3[%multiple_of3A_288] : memref<67108864xf32, #tpu.memory_space<hbm>> -> memref<2048xf32, #tpu.memory_space<hbm>>
      %dma_start3A_292 = tpu.memref_slice %arg5[%multiple_of3A_281] : memref<32896xf32, #tpu.memory_space<vmem>> -> memref<2048xf32, #tpu.memory_space<vmem>>
      tpu.enqueue_dma source(%dma_start3A_292 : memref<2048xf32, #tpu.memory_space<vmem>>) target(%dma_start3A_291 : memref<2048xf32, #tpu.memory_space<hbm>>) target_semaphore(%arg6 : memref<!tpu.dma_semaphore, #tpu.memory_space<semaphore_mem>>)
      %add3A_293 = arith.constant 16448 : i32
      %add3A_294 = arith.addi %add3A_293, %sub3A_251 : i32
      %multiple_of3A_295 = tpu.assume_multiple %add3A_294, 8 : i32
      %add3A_296 = arith.constant 0 : i32
      %add3A_297 = arith.addi %add3A_245, %add3A_296 : i32
      %add3A_298 = arith.constant 3 : i32
      %add3A_299 = arith.addi %add3A_297, %add3A_298 : i32
      %mul3A_300 = arith.constant 2048 : i32
      %mul3A_301 = arith.muli %add3A_299, %mul3A_300 : i32
      %multiple_of3A_302 = tpu.assume_multiple %mul3A_301, 8 : i32
      %dma_start3A_303 = tpu.memref_slice %arg5[%multiple_of3A_295] : memref<32896xf32, #tpu.memory_space<vmem>> -> memref<2048xf32, #tpu.memory_space<vmem>>
      %dma_start3A_304 = tpu.memref_slice %arg3[%multiple_of3A_302] : memref<67108864xf32, #tpu.memory_space<hbm>> -> memref<2048xf32, #tpu.memory_space<hbm>>
      %dma_start3A_305 = tpu.memref_slice %arg3[%multiple_of3A_302] : memref<67108864xf32, #tpu.memory_space<hbm>> -> memref<2048xf32, #tpu.memory_space<hbm>>
      %dma_start3A_306 = tpu.memref_slice %arg5[%multiple_of3A_295] : memref<32896xf32, #tpu.memory_space<vmem>> -> memref<2048xf32, #tpu.memory_space<vmem>>
      tpu.enqueue_dma source(%dma_start3A_306 : memref<2048xf32, #tpu.memory_space<vmem>>) target(%dma_start3A_305 : memref<2048xf32, #tpu.memory_space<hbm>>) target_semaphore(%arg6 : memref<!tpu.dma_semaphore, #tpu.memory_space<semaphore_mem>>)
      %add3A_307 = arith.constant 12336 : i32
      %add3A_308 = arith.addi %add3A_307, %sub3A_251 : i32
      %multiple_of3A_309 = tpu.assume_multiple %add3A_308, 8 : i32
      %add3A_310 = arith.constant 0 : i32
      %add3A_311 = arith.addi %add3A_245, %add3A_310 : i32
      %add3A_312 = arith.constant 4 : i32
      %add3A_313 = arith.addi %add3A_311, %add3A_312 : i32
      %mul3A_314 = arith.constant 2048 : i32
      %mul3A_315 = arith.muli %add3A_313, %mul3A_314 : i32
      %multiple_of3A_316 = tpu.assume_multiple %mul3A_315, 8 : i32
      %dma_start3A_317 = tpu.memref_slice %arg5[%multiple_of3A_309] : memref<32896xf32, #tpu.memory_space<vmem>> -> memref<2048xf32, #tpu.memory_space<vmem>>
      %dma_start3A_318 = tpu.memref_slice %arg3[%multiple_of3A_316] : memref<67108864xf32, #tpu.memory_space<hbm>> -> memref<2048xf32, #tpu.memory_space<hbm>>
      %dma_start3A_319 = tpu.memref_slice %arg3[%multiple_of3A_316] : memref<67108864xf32, #tpu.memory_space<hbm>> -> memref<2048xf32, #tpu.memory_space<hbm>>
      %dma_start3A_320 = tpu.memref_slice %arg5[%multiple_of3A_309] : memref<32896xf32, #tpu.memory_space<vmem>> -> memref<2048xf32, #tpu.memory_space<vmem>>
      tpu.enqueue_dma source(%dma_start3A_320 : memref<2048xf32, #tpu.memory_space<vmem>>) target(%dma_start3A_319 : memref<2048xf32, #tpu.memory_space<hbm>>) target_semaphore(%arg6 : memref<!tpu.dma_semaphore, #tpu.memory_space<semaphore_mem>>)
      %add3A_321 = arith.constant 8224 : i32
      %add3A_322 = arith.addi %add3A_321, %sub3A_251 : i32
      %multiple_of3A_323 = tpu.assume_multiple %add3A_322, 8 : i32
      %add3A_324 = arith.constant 0 : i32
      %add3A_325 = arith.addi %add3A_245, %add3A_324 : i32
      %add3A_326 = arith.constant 5 : i32
      %add3A_327 = arith.addi %add3A_325, %add3A_326 : i32
      %mul3A_328 = arith.constant 2048 : i32
      %mul3A_329 = arith.muli %add3A_327, %mul3A_328 : i32
      %multiple_of3A_330 = tpu.assume_multiple %mul3A_329, 8 : i32
      %dma_start3A_331 = tpu.memref_slice %arg5[%multiple_of3A_323] : memref<32896xf32, #tpu.memory_space<vmem>> -> memref<2048xf32, #tpu.memory_space<vmem>>
      %dma_start3A_332 = tpu.memref_slice %arg3[%multiple_of3A_330] : memref<67108864xf32, #tpu.memory_space<hbm>> -> memref<2048xf32, #tpu.memory_space<hbm>>
      %dma_start3A_333 = tpu.memref_slice %arg3[%multiple_of3A_330] : memref<67108864xf32, #tpu.memory_space<hbm>> -> memref<2048xf32, #tpu.memory_space<hbm>>
      %dma_start3A_334 = tpu.memref_slice %arg5[%multiple_of3A_323] : memref<32896xf32, #tpu.memory_space<vmem>> -> memref<2048xf32, #tpu.memory_space<vmem>>
      tpu.enqueue_dma source(%dma_start3A_334 : memref<2048xf32, #tpu.memory_space<vmem>>) target(%dma_start3A_333 : memref<2048xf32, #tpu.memory_space<hbm>>) target_semaphore(%arg6 : memref<!tpu.dma_semaphore, #tpu.memory_space<semaphore_mem>>)
      %add3A_335 = arith.constant 4112 : i32
      %add3A_336 = arith.addi %add3A_335, %sub3A_251 : i32
      %multiple_of3A_337 = tpu.assume_multiple %add3A_336, 8 : i32
      %add3A_338 = arith.constant 0 : i32
      %add3A_339 = arith.addi %add3A_245, %add3A_338 : i32
      %add3A_340 = arith.constant 6 : i32
      %add3A_341 = arith.addi %add3A_339, %add3A_340 : i32
      %mul3A_342 = arith.constant 2048 : i32
      %mul3A_343 = arith.muli %add3A_341, %mul3A_342 : i32
      %multiple_of3A_344 = tpu.assume_multiple %mul3A_343, 8 : i32
      %dma_start3A_345 = tpu.memref_slice %arg5[%multiple_of3A_337] : memref<32896xf32, #tpu.memory_space<vmem>> -> memref<2048xf32, #tpu.memory_space<vmem>>
      %dma_start3A_346 = tpu.memref_slice %arg3[%multiple_of3A_344] : memref<67108864xf32, #tpu.memory_space<hbm>> -> memref<2048xf32, #tpu.memory_space<hbm>>
      %dma_start3A_347 = tpu.memref_slice %arg3[%multiple_of3A_344] : memref<67108864xf32, #tpu.memory_space<hbm>> -> memref<2048xf32, #tpu.memory_space<hbm>>
      %dma_start3A_348 = tpu.memref_slice %arg5[%multiple_of3A_337] : memref<32896xf32, #tpu.memory_space<vmem>> -> memref<2048xf32, #tpu.memory_space<vmem>>
      tpu.enqueue_dma source(%dma_start3A_348 : memref<2048xf32, #tpu.memory_space<vmem>>) target(%dma_start3A_347 : memref<2048xf32, #tpu.memory_space<hbm>>) target_semaphore(%arg6 : memref<!tpu.dma_semaphore, #tpu.memory_space<semaphore_mem>>)
      %add3A_349 = arith.constant 0 : i32
      %add3A_350 = arith.addi %add3A_349, %sub3A_251 : i32
      %multiple_of3A_351 = tpu.assume_multiple %add3A_350, 8 : i32
      %add3A_352 = arith.constant 0 : i32
      %add3A_353 = arith.addi %add3A_245, %add3A_352 : i32
      %add3A_354 = arith.constant 7 : i32
      %add3A_355 = arith.addi %add3A_353, %add3A_354 : i32
      %mul3A_356 = arith.constant 2048 : i32
      %mul3A_357 = arith.muli %add3A_355, %mul3A_356 : i32
      %multiple_of3A_358 = tpu.assume_multiple %mul3A_357, 8 : i32
      %dma_start3A_359 = tpu.memref_slice %arg5[%multiple_of3A_351] : memref<32896xf32, #tpu.memory_space<vmem>> -> memref<2048xf32, #tpu.memory_space<vmem>>
      %dma_start3A_360 = tpu.memref_slice %arg3[%multiple_of3A_358] : memref<67108864xf32, #tpu.memory_space<hbm>> -> memref<2048xf32, #tpu.memory_space<hbm>>
      %dma_start3A_361 = tpu.memref_slice %arg3[%multiple_of3A_358] : memref<67108864xf32, #tpu.memory_space<hbm>> -> memref<2048xf32, #tpu.memory_space<hbm>>
      %dma_start3A_362 = tpu.memref_slice %arg5[%multiple_of3A_351] : memref<32896xf32, #tpu.memory_space<vmem>> -> memref<2048xf32, #tpu.memory_space<vmem>>
      tpu.enqueue_dma source(%dma_start3A_362 : memref<2048xf32, #tpu.memory_space<vmem>>) target(%dma_start3A_361 : memref<2048xf32, #tpu.memory_space<hbm>>) target_semaphore(%arg6 : memref<!tpu.dma_semaphore, #tpu.memory_space<semaphore_mem>>)
      %add3A_363 = arith.constant 8 : i32
      %add3A_364 = arith.addi %rem3A_247, %add3A_363 : i32
      %sub3A_365 = arith.constant 2040 : i32
      %sub3A_366 = arith.subi %sub3A_365, %add3A_364 : i32
      %add3A_367 = arith.constant 28784 : i32
      %add3A_368 = arith.addi %add3A_367, %sub3A_366 : i32
      %multiple_of3A_369 = tpu.assume_multiple %add3A_368, 8 : i32
      %add3A_370 = arith.constant 8 : i32
      %add3A_371 = arith.addi %add3A_245, %add3A_370 : i32
      %add3A_372 = arith.constant 0 : i32
      %add3A_373 = arith.addi %add3A_371, %add3A_372 : i32
      %mul3A_374 = arith.constant 2048 : i32
      %mul3A_375 = arith.muli %add3A_373, %mul3A_374 : i32
      %multiple_of3A_376 = tpu.assume_multiple %mul3A_375, 8 : i32
      %dma_start3A_377 = tpu.memref_slice %arg5[%multiple_of3A_369] : memref<32896xf32, #tpu.memory_space<vmem>> -> memref<2048xf32, #tpu.memory_space<vmem>>
      %dma_start3A_378 = tpu.memref_slice %arg3[%multiple_of3A_376] : memref<67108864xf32, #tpu.memory_space<hbm>> -> memref<2048xf32, #tpu.memory_space<hbm>>
      %dma_start3A_379 = tpu.memref_slice %arg3[%multiple_of3A_376] : memref<67108864xf32, #tpu.memory_space<hbm>> -> memref<2048xf32, #tpu.memory_space<hbm>>
      %dma_start3A_380 = tpu.memref_slice %arg5[%multiple_of3A_369] : memref<32896xf32, #tpu.memory_space<vmem>> -> memref<2048xf32, #tpu.memory_space<vmem>>
      tpu.enqueue_dma source(%dma_start3A_380 : memref<2048xf32, #tpu.memory_space<vmem>>) target(%dma_start3A_379 : memref<2048xf32, #tpu.memory_space<hbm>>) target_semaphore(%arg6 : memref<!tpu.dma_semaphore, #tpu.memory_space<semaphore_mem>>)
      %add3A_381 = arith.constant 24672 : i32
      %add3A_382 = arith.addi %add3A_381, %sub3A_366 : i32
      %multiple_of3A_383 = tpu.assume_multiple %add3A_382, 8 : i32
      %add3A_384 = arith.constant 8 : i32
      %add3A_385 = arith.addi %add3A_245, %add3A_384 : i32
      %add3A_386 = arith.constant 1 : i32
      %add3A_387 = arith.addi %add3A_385, %add3A_386 : i32
      %mul3A_388 = arith.constant 2048 : i32
      %mul3A_389 = arith.muli %add3A_387, %mul3A_388 : i32
      %multiple_of3A_390 = tpu.assume_multiple %mul3A_389, 8 : i32
      %dma_start3A_391 = tpu.memref_slice %arg5[%multiple_of3A_383] : memref<32896xf32, #tpu.memory_space<vmem>> -> memref<2048xf32, #tpu.memory_space<vmem>>
      %dma_start3A_392 = tpu.memref_slice %arg3[%multiple_of3A_390] : memref<67108864xf32, #tpu.memory_space<hbm>> -> memref<2048xf32, #tpu.memory_space<hbm>>
      %dma_start3A_393 = tpu.memref_slice %arg3[%multiple_of3A_390] : memref<67108864xf32, #tpu.memory_space<hbm>> -> memref<2048xf32, #tpu.memory_space<hbm>>
      %dma_start3A_394 = tpu.memref_slice %arg5[%multiple_of3A_383] : memref<32896xf32, #tpu.memory_space<vmem>> -> memref<2048xf32, #tpu.memory_space<vmem>>
      tpu.enqueue_dma source(%dma_start3A_394 : memref<2048xf32, #tpu.memory_space<vmem>>) target(%dma_start3A_393 : memref<2048xf32, #tpu.memory_space<hbm>>) target_semaphore(%arg6 : memref<!tpu.dma_semaphore, #tpu.memory_space<semaphore_mem>>)
      %add3A_395 = arith.constant 20560 : i32
      %add3A_396 = arith.addi %add3A_395, %sub3A_366 : i32
      %multiple_of3A_397 = tpu.assume_multiple %add3A_396, 8 : i32
      %add3A_398 = arith.constant 8 : i32
      %add3A_399 = arith.addi %add3A_245, %add3A_398 : i32
      %add3A_400 = arith.constant 2 : i32
      %add3A_401 = arith.addi %add3A_399, %add3A_400 : i32
      %mul3A_402 = arith.constant 2048 : i32
      %mul3A_403 = arith.muli %add3A_401, %mul3A_402 : i32
      %multiple_of3A_404 = tpu.assume_multiple %mul3A_403, 8 : i32
      %dma_start3A_405 = tpu.memref_slice %arg5[%multiple_of3A_397] : memref<32896xf32, #tpu.memory_space<vmem>> -> memref<2048xf32, #tpu.memory_space<vmem>>
      %dma_start3A_406 = tpu.memref_slice %arg3[%multiple_of3A_404] : memref<67108864xf32, #tpu.memory_space<hbm>> -> memref<2048xf32, #tpu.memory_space<hbm>>
      %dma_start3A_407 = tpu.memref_slice %arg3[%multiple_of3A_404] : memref<67108864xf32, #tpu.memory_space<hbm>> -> memref<2048xf32, #tpu.memory_space<hbm>>
      %dma_start3A_408 = tpu.memref_slice %arg5[%multiple_of3A_397] : memref<32896xf32, #tpu.memory_space<vmem>> -> memref<2048xf32, #tpu.memory_space<vmem>>
      tpu.enqueue_dma source(%dma_start3A_408 : memref<2048xf32, #tpu.memory_space<vmem>>) target(%dma_start3A_407 : memref<2048xf32, #tpu.memory_space<hbm>>) target_semaphore(%arg6 : memref<!tpu.dma_semaphore, #tpu.memory_space<semaphore_mem>>)
      %add3A_409 = arith.constant 16448 : i32
      %add3A_410 = arith.addi %add3A_409, %sub3A_366 : i32
      %multiple_of3A_411 = tpu.assume_multiple %add3A_410, 8 : i32
      %add3A_412 = arith.constant 8 : i32
      %add3A_413 = arith.addi %add3A_245, %add3A_412 : i32
      %add3A_414 = arith.constant 3 : i32
      %add3A_415 = arith.addi %add3A_413, %add3A_414 : i32
      %mul3A_416 = arith.constant 2048 : i32
      %mul3A_417 = arith.muli %add3A_415, %mul3A_416 : i32
      %multiple_of3A_418 = tpu.assume_multiple %mul3A_417, 8 : i32
      %dma_start3A_419 = tpu.memref_slice %arg5[%multiple_of3A_411] : memref<32896xf32, #tpu.memory_space<vmem>> -> memref<2048xf32, #tpu.memory_space<vmem>>
      %dma_start3A_420 = tpu.memref_slice %arg3[%multiple_of3A_418] : memref<67108864xf32, #tpu.memory_space<hbm>> -> memref<2048xf32, #tpu.memory_space<hbm>>
      %dma_start3A_421 = tpu.memref_slice %arg3[%multiple_of3A_418] : memref<67108864xf32, #tpu.memory_space<hbm>> -> memref<2048xf32, #tpu.memory_space<hbm>>
      %dma_start3A_422 = tpu.memref_slice %arg5[%multiple_of3A_411] : memref<32896xf32, #tpu.memory_space<vmem>> -> memref<2048xf32, #tpu.memory_space<vmem>>
      tpu.enqueue_dma source(%dma_start3A_422 : memref<2048xf32, #tpu.memory_space<vmem>>) target(%dma_start3A_421 : memref<2048xf32, #tpu.memory_space<hbm>>) target_semaphore(%arg6 : memref<!tpu.dma_semaphore, #tpu.memory_space<semaphore_mem>>)
      %add3A_423 = arith.constant 12336 : i32
      %add3A_424 = arith.addi %add3A_423, %sub3A_366 : i32
      %multiple_of3A_425 = tpu.assume_multiple %add3A_424, 8 : i32
      %add3A_426 = arith.constant 8 : i32
      %add3A_427 = arith.addi %add3A_245, %add3A_426 : i32
      %add3A_428 = arith.constant 4 : i32
      %add3A_429 = arith.addi %add3A_427, %add3A_428 : i32
      %mul3A_430 = arith.constant 2048 : i32
      %mul3A_431 = arith.muli %add3A_429, %mul3A_430 : i32
      %multiple_of3A_432 = tpu.assume_multiple %mul3A_431, 8 : i32
      %dma_start3A_433 = tpu.memref_slice %arg5[%multiple_of3A_425] : memref<32896xf32, #tpu.memory_space<vmem>> -> memref<2048xf32, #tpu.memory_space<vmem>>
      %dma_start3A_434 = tpu.memref_slice %arg3[%multiple_of3A_432] : memref<67108864xf32, #tpu.memory_space<hbm>> -> memref<2048xf32, #tpu.memory_space<hbm>>
      %dma_start3A_435 = tpu.memref_slice %arg3[%multiple_of3A_432] : memref<67108864xf32, #tpu.memory_space<hbm>> -> memref<2048xf32, #tpu.memory_space<hbm>>
      %dma_start3A_436 = tpu.memref_slice %arg5[%multiple_of3A_425] : memref<32896xf32, #tpu.memory_space<vmem>> -> memref<2048xf32, #tpu.memory_space<vmem>>
      tpu.enqueue_dma source(%dma_start3A_436 : memref<2048xf32, #tpu.memory_space<vmem>>) target(%dma_start3A_435 : memref<2048xf32, #tpu.memory_space<hbm>>) target_semaphore(%arg6 : memref<!tpu.dma_semaphore, #tpu.memory_space<semaphore_mem>>)
      %add3A_437 = arith.constant 8224 : i32
      %add3A_438 = arith.addi %add3A_437, %sub3A_366 : i32
      %multiple_of3A_439 = tpu.assume_multiple %add3A_438, 8 : i32
      %add3A_440 = arith.constant 8 : i32
      %add3A_441 = arith.addi %add3A_245, %add3A_440 : i32
      %add3A_442 = arith.constant 5 : i32
      %add3A_443 = arith.addi %add3A_441, %add3A_442 : i32
      %mul3A_444 = arith.constant 2048 : i32
      %mul3A_445 = arith.muli %add3A_443, %mul3A_444 : i32
      %multiple_of3A_446 = tpu.assume_multiple %mul3A_445, 8 : i32
      %dma_start3A_447 = tpu.memref_slice %arg5[%multiple_of3A_439] : memref<32896xf32, #tpu.memory_space<vmem>> -> memref<2048xf32, #tpu.memory_space<vmem>>
      %dma_start3A_448 = tpu.memref_slice %arg3[%multiple_of3A_446] : memref<67108864xf32, #tpu.memory_space<hbm>> -> memref<2048xf32, #tpu.memory_space<hbm>>
      %dma_start3A_449 = tpu.memref_slice %arg3[%multiple_of3A_446] : memref<67108864xf32, #tpu.memory_space<hbm>> -> memref<2048xf32, #tpu.memory_space<hbm>>
      %dma_start3A_450 = tpu.memref_slice %arg5[%multiple_of3A_439] : memref<32896xf32, #tpu.memory_space<vmem>> -> memref<2048xf32, #tpu.memory_space<vmem>>
      tpu.enqueue_dma source(%dma_start3A_450 : memref<2048xf32, #tpu.memory_space<vmem>>) target(%dma_start3A_449 : memref<2048xf32, #tpu.memory_space<hbm>>) target_semaphore(%arg6 : memref<!tpu.dma_semaphore, #tpu.memory_space<semaphore_mem>>)
      %add3A_451 = arith.constant 4112 : i32
      %add3A_452 = arith.addi %add3A_451, %sub3A_366 : i32
      %multiple_of3A_453 = tpu.assume_multiple %add3A_452, 8 : i32
      %add3A_454 = arith.constant 8 : i32
      %add3A_455 = arith.addi %add3A_245, %add3A_454 : i32
      %add3A_456 = arith.constant 6 : i32
      %add3A_457 = arith.addi %add3A_455, %add3A_456 : i32
      %mul3A_458 = arith.constant 2048 : i32
      %mul3A_459 = arith.muli %add3A_457, %mul3A_458 : i32
      %multiple_of3A_460 = tpu.assume_multiple %mul3A_459, 8 : i32
      %dma_start3A_461 = tpu.memref_slice %arg5[%multiple_of3A_453] : memref<32896xf32, #tpu.memory_space<vmem>> -> memref<2048xf32, #tpu.memory_space<vmem>>
      %dma_start3A_462 = tpu.memref_slice %arg3[%multiple_of3A_460] : memref<67108864xf32, #tpu.memory_space<hbm>> -> memref<2048xf32, #tpu.memory_space<hbm>>
      %dma_start3A_463 = tpu.memref_slice %arg3[%multiple_of3A_460] : memref<67108864xf32, #tpu.memory_space<hbm>> -> memref<2048xf32, #tpu.memory_space<hbm>>
      %dma_start3A_464 = tpu.memref_slice %arg5[%multiple_of3A_453] : memref<32896xf32, #tpu.memory_space<vmem>> -> memref<2048xf32, #tpu.memory_space<vmem>>
      tpu.enqueue_dma source(%dma_start3A_464 : memref<2048xf32, #tpu.memory_space<vmem>>) target(%dma_start3A_463 : memref<2048xf32, #tpu.memory_space<hbm>>) target_semaphore(%arg6 : memref<!tpu.dma_semaphore, #tpu.memory_space<semaphore_mem>>)
      %add3A_465 = arith.constant 0 : i32
      %add3A_466 = arith.addi %add3A_465, %sub3A_366 : i32
      %multiple_of3A_467 = tpu.assume_multiple %add3A_466, 8 : i32
      %add3A_468 = arith.constant 8 : i32
      %add3A_469 = arith.addi %add3A_245, %add3A_468 : i32
      %add3A_470 = arith.constant 7 : i32
      %add3A_471 = arith.addi %add3A_469, %add3A_470 : i32
      %mul3A_472 = arith.constant 2048 : i32
      %mul3A_473 = arith.muli %add3A_471, %mul3A_472 : i32
      %multiple_of3A_474 = tpu.assume_multiple %mul3A_473, 8 : i32
      %dma_start3A_475 = tpu.memref_slice %arg5[%multiple_of3A_467] : memref<32896xf32, #tpu.memory_space<vmem>> -> memref<2048xf32, #tpu.memory_space<vmem>>
      %dma_start3A_476 = tpu.memref_slice %arg3[%multiple_of3A_474] : memref<67108864xf32, #tpu.memory_space<hbm>> -> memref<2048xf32, #tpu.memory_space<hbm>>
      %dma_start3A_477 = tpu.memref_slice %arg3[%multiple_of3A_474] : memref<67108864xf32, #tpu.memory_space<hbm>> -> memref<2048xf32, #tpu.memory_space<hbm>>
      %dma_start3A_478 = tpu.memref_slice %arg5[%multiple_of3A_467] : memref<32896xf32, #tpu.memory_space<vmem>> -> memref<2048xf32, #tpu.memory_space<vmem>>
      tpu.enqueue_dma source(%dma_start3A_478 : memref<2048xf32, #tpu.memory_space<vmem>>) target(%dma_start3A_477 : memref<2048xf32, #tpu.memory_space<hbm>>) target_semaphore(%arg6 : memref<!tpu.dma_semaphore, #tpu.memory_space<semaphore_mem>>)
      %dma_wait3A = tpu.memref_slice %arg5[%multiple_of3A_254] : memref<32896xf32, #tpu.memory_space<vmem>> -> memref<2048xf32, #tpu.memory_space<vmem>>
      %dma_wait3A_479 = tpu.memref_slice %arg3[%multiple_of3A_261] : memref<67108864xf32, #tpu.memory_space<hbm>> -> memref<2048xf32, #tpu.memory_space<hbm>>
      %dma_wait3A_480 = tpu.memref_slice %arg3[%multiple_of3A_261] : memref<67108864xf32, #tpu.memory_space<hbm>> -> memref<2048xf32, #tpu.memory_space<hbm>>
      %dma_wait3A_481 = tpu.memref_slice %arg5[%multiple_of3A_254] : memref<32896xf32, #tpu.memory_space<vmem>> -> memref<2048xf32, #tpu.memory_space<vmem>>
      tpu.wait_dma2 semaphore(%arg6 : memref<!tpu.dma_semaphore, #tpu.memory_space<semaphore_mem>>) src(%dma_wait3A_481 : memref<2048xf32, #tpu.memory_space<vmem>>) dst(%dma_wait3A_480 : memref<2048xf32, #tpu.memory_space<hbm>>)
      %dma_wait3A_482 = tpu.memref_slice %arg5[%multiple_of3A_267] : memref<32896xf32, #tpu.memory_space<vmem>> -> memref<2048xf32, #tpu.memory_space<vmem>>
      %dma_wait3A_483 = tpu.memref_slice %arg3[%multiple_of3A_274] : memref<67108864xf32, #tpu.memory_space<hbm>> -> memref<2048xf32, #tpu.memory_space<hbm>>
      %dma_wait3A_484 = tpu.memref_slice %arg3[%multiple_of3A_274] : memref<67108864xf32, #tpu.memory_space<hbm>> -> memref<2048xf32, #tpu.memory_space<hbm>>
      %dma_wait3A_485 = tpu.memref_slice %arg5[%multiple_of3A_267] : memref<32896xf32, #tpu.memory_space<vmem>> -> memref<2048xf32, #tpu.memory_space<vmem>>
      tpu.wait_dma2 semaphore(%arg6 : memref<!tpu.dma_semaphore, #tpu.memory_space<semaphore_mem>>) src(%dma_wait3A_485 : memref<2048xf32, #tpu.memory_space<vmem>>) dst(%dma_wait3A_484 : memref<2048xf32, #tpu.memory_space<hbm>>)
      %dma_wait3A_486 = tpu.memref_slice %arg5[%multiple_of3A_281] : memref<32896xf32, #tpu.memory_space<vmem>> -> memref<2048xf32, #tpu.memory_space<vmem>>
      %dma_wait3A_487 = tpu.memref_slice %arg3[%multiple_of3A_288] : memref<67108864xf32, #tpu.memory_space<hbm>> -> memref<2048xf32, #tpu.memory_space<hbm>>
      %dma_wait3A_488 = tpu.memref_slice %arg3[%multiple_of3A_288] : memref<67108864xf32, #tpu.memory_space<hbm>> -> memref<2048xf32, #tpu.memory_space<hbm>>
      %dma_wait3A_489 = tpu.memref_slice %arg5[%multiple_of3A_281] : memref<32896xf32, #tpu.memory_space<vmem>> -> memref<2048xf32, #tpu.memory_space<vmem>>
      tpu.wait_dma2 semaphore(%arg6 : memref<!tpu.dma_semaphore, #tpu.memory_space<semaphore_mem>>) src(%dma_wait3A_489 : memref<2048xf32, #tpu.memory_space<vmem>>) dst(%dma_wait3A_488 : memref<2048xf32, #tpu.memory_space<hbm>>)
      %dma_wait3A_490 = tpu.memref_slice %arg5[%multiple_of3A_295] : memref<32896xf32, #tpu.memory_space<vmem>> -> memref<2048xf32, #tpu.memory_space<vmem>>
      %dma_wait3A_491 = tpu.memref_slice %arg3[%multiple_of3A_302] : memref<67108864xf32, #tpu.memory_space<hbm>> -> memref<2048xf32, #tpu.memory_space<hbm>>
      %dma_wait3A_492 = tpu.memref_slice %arg3[%multiple_of3A_302] : memref<67108864xf32, #tpu.memory_space<hbm>> -> memref<2048xf32, #tpu.memory_space<hbm>>
      %dma_wait3A_493 = tpu.memref_slice %arg5[%multiple_of3A_295] : memref<32896xf32, #tpu.memory_space<vmem>> -> memref<2048xf32, #tpu.memory_space<vmem>>
      tpu.wait_dma2 semaphore(%arg6 : memref<!tpu.dma_semaphore, #tpu.memory_space<semaphore_mem>>) src(%dma_wait3A_493 : memref<2048xf32, #tpu.memory_space<vmem>>) dst(%dma_wait3A_492 : memref<2048xf32, #tpu.memory_space<hbm>>)
      %dma_wait3A_494 = tpu.memref_slice %arg5[%multiple_of3A_309] : memref<32896xf32, #tpu.memory_space<vmem>> -> memref<2048xf32, #tpu.memory_space<vmem>>
      %dma_wait3A_495 = tpu.memref_slice %arg3[%multiple_of3A_316] : memref<67108864xf32, #tpu.memory_space<hbm>> -> memref<2048xf32, #tpu.memory_space<hbm>>
      %dma_wait3A_496 = tpu.memref_slice %arg3[%multiple_of3A_316] : memref<67108864xf32, #tpu.memory_space<hbm>> -> memref<2048xf32, #tpu.memory_space<hbm>>
      %dma_wait3A_497 = tpu.memref_slice %arg5[%multiple_of3A_309] : memref<32896xf32, #tpu.memory_space<vmem>> -> memref<2048xf32, #tpu.memory_space<vmem>>
      tpu.wait_dma2 semaphore(%arg6 : memref<!tpu.dma_semaphore, #tpu.memory_space<semaphore_mem>>) src(%dma_wait3A_497 : memref<2048xf32, #tpu.memory_space<vmem>>) dst(%dma_wait3A_496 : memref<2048xf32, #tpu.memory_space<hbm>>)
      %dma_wait3A_498 = tpu.memref_slice %arg5[%multiple_of3A_323] : memref<32896xf32, #tpu.memory_space<vmem>> -> memref<2048xf32, #tpu.memory_space<vmem>>
      %dma_wait3A_499 = tpu.memref_slice %arg3[%multiple_of3A_330] : memref<67108864xf32, #tpu.memory_space<hbm>> -> memref<2048xf32, #tpu.memory_space<hbm>>
      %dma_wait3A_500 = tpu.memref_slice %arg3[%multiple_of3A_330] : memref<67108864xf32, #tpu.memory_space<hbm>> -> memref<2048xf32, #tpu.memory_space<hbm>>
      %dma_wait3A_501 = tpu.memref_slice %arg5[%multiple_of3A_323] : memref<32896xf32, #tpu.memory_space<vmem>> -> memref<2048xf32, #tpu.memory_space<vmem>>
      tpu.wait_dma2 semaphore(%arg6 : memref<!tpu.dma_semaphore, #tpu.memory_space<semaphore_mem>>) src(%dma_wait3A_501 : memref<2048xf32, #tpu.memory_space<vmem>>) dst(%dma_wait3A_500 : memref<2048xf32, #tpu.memory_space<hbm>>)
      %dma_wait3A_502 = tpu.memref_slice %arg5[%multiple_of3A_337] : memref<32896xf32, #tpu.memory_space<vmem>> -> memref<2048xf32, #tpu.memory_space<vmem>>
      %dma_wait3A_503 = tpu.memref_slice %arg3[%multiple_of3A_344] : memref<67108864xf32, #tpu.memory_space<hbm>> -> memref<2048xf32, #tpu.memory_space<hbm>>
      %dma_wait3A_504 = tpu.memref_slice %arg3[%multiple_of3A_344] : memref<67108864xf32, #tpu.memory_space<hbm>> -> memref<2048xf32, #tpu.memory_space<hbm>>
      %dma_wait3A_505 = tpu.memref_slice %arg5[%multiple_of3A_337] : memref<32896xf32, #tpu.memory_space<vmem>> -> memref<2048xf32, #tpu.memory_space<vmem>>
      tpu.wait_dma2 semaphore(%arg6 : memref<!tpu.dma_semaphore, #tpu.memory_space<semaphore_mem>>) src(%dma_wait3A_505 : memref<2048xf32, #tpu.memory_space<vmem>>) dst(%dma_wait3A_504 : memref<2048xf32, #tpu.memory_space<hbm>>)
      %dma_wait3A_506 = tpu.memref_slice %arg5[%multiple_of3A_351] : memref<32896xf32, #tpu.memory_space<vmem>> -> memref<2048xf32, #tpu.memory_space<vmem>>
      %dma_wait3A_507 = tpu.memref_slice %arg3[%multiple_of3A_358] : memref<67108864xf32, #tpu.memory_space<hbm>> -> memref<2048xf32, #tpu.memory_space<hbm>>
      %dma_wait3A_508 = tpu.memref_slice %arg3[%multiple_of3A_358] : memref<67108864xf32, #tpu.memory_space<hbm>> -> memref<2048xf32, #tpu.memory_space<hbm>>
      %dma_wait3A_509 = tpu.memref_slice %arg5[%multiple_of3A_351] : memref<32896xf32, #tpu.memory_space<vmem>> -> memref<2048xf32, #tpu.memory_space<vmem>>
      tpu.wait_dma2 semaphore(%arg6 : memref<!tpu.dma_semaphore, #tpu.memory_space<semaphore_mem>>) src(%dma_wait3A_509 : memref<2048xf32, #tpu.memory_space<vmem>>) dst(%dma_wait3A_508 : memref<2048xf32, #tpu.memory_space<hbm>>)
      %dma_wait3A_510 = tpu.memref_slice %arg5[%multiple_of3A_369] : memref<32896xf32, #tpu.memory_space<vmem>> -> memref<2048xf32, #tpu.memory_space<vmem>>
      %dma_wait3A_511 = tpu.memref_slice %arg3[%multiple_of3A_376] : memref<67108864xf32, #tpu.memory_space<hbm>> -> memref<2048xf32, #tpu.memory_space<hbm>>
      %dma_wait3A_512 = tpu.memref_slice %arg3[%multiple_of3A_376] : memref<67108864xf32, #tpu.memory_space<hbm>> -> memref<2048xf32, #tpu.memory_space<hbm>>
      %dma_wait3A_513 = tpu.memref_slice %arg5[%multiple_of3A_369] : memref<32896xf32, #tpu.memory_space<vmem>> -> memref<2048xf32, #tpu.memory_space<vmem>>
      tpu.wait_dma2 semaphore(%arg6 : memref<!tpu.dma_semaphore, #tpu.memory_space<semaphore_mem>>) src(%dma_wait3A_513 : memref<2048xf32, #tpu.memory_space<vmem>>) dst(%dma_wait3A_512 : memref<2048xf32, #tpu.memory_space<hbm>>)
      %dma_wait3A_514 = tpu.memref_slice %arg5[%multiple_of3A_383] : memref<32896xf32, #tpu.memory_space<vmem>> -> memref<2048xf32, #tpu.memory_space<vmem>>
      %dma_wait3A_515 = tpu.memref_slice %arg3[%multiple_of3A_390] : memref<67108864xf32, #tpu.memory_space<hbm>> -> memref<2048xf32, #tpu.memory_space<hbm>>
      %dma_wait3A_516 = tpu.memref_slice %arg3[%multiple_of3A_390] : memref<67108864xf32, #tpu.memory_space<hbm>> -> memref<2048xf32, #tpu.memory_space<hbm>>
      %dma_wait3A_517 = tpu.memref_slice %arg5[%multiple_of3A_383] : memref<32896xf32, #tpu.memory_space<vmem>> -> memref<2048xf32, #tpu.memory_space<vmem>>
      tpu.wait_dma2 semaphore(%arg6 : memref<!tpu.dma_semaphore, #tpu.memory_space<semaphore_mem>>) src(%dma_wait3A_517 : memref<2048xf32, #tpu.memory_space<vmem>>) dst(%dma_wait3A_516 : memref<2048xf32, #tpu.memory_space<hbm>>)
      %dma_wait3A_518 = tpu.memref_slice %arg5[%multiple_of3A_397] : memref<32896xf32, #tpu.memory_space<vmem>> -> memref<2048xf32, #tpu.memory_space<vmem>>
      %dma_wait3A_519 = tpu.memref_slice %arg3[%multiple_of3A_404] : memref<67108864xf32, #tpu.memory_space<hbm>> -> memref<2048xf32, #tpu.memory_space<hbm>>
      %dma_wait3A_520 = tpu.memref_slice %arg3[%multiple_of3A_404] : memref<67108864xf32, #tpu.memory_space<hbm>> -> memref<2048xf32, #tpu.memory_space<hbm>>
      %dma_wait3A_521 = tpu.memref_slice %arg5[%multiple_of3A_397] : memref<32896xf32, #tpu.memory_space<vmem>> -> memref<2048xf32, #tpu.memory_space<vmem>>
      tpu.wait_dma2 semaphore(%arg6 : memref<!tpu.dma_semaphore, #tpu.memory_space<semaphore_mem>>) src(%dma_wait3A_521 : memref<2048xf32, #tpu.memory_space<vmem>>) dst(%dma_wait3A_520 : memref<2048xf32, #tpu.memory_space<hbm>>)
      %dma_wait3A_522 = tpu.memref_slice %arg5[%multiple_of3A_411] : memref<32896xf32, #tpu.memory_space<vmem>> -> memref<2048xf32, #tpu.memory_space<vmem>>
      %dma_wait3A_523 = tpu.memref_slice %arg3[%multiple_of3A_418] : memref<67108864xf32, #tpu.memory_space<hbm>> -> memref<2048xf32, #tpu.memory_space<hbm>>
      %dma_wait3A_524 = tpu.memref_slice %arg3[%multiple_of3A_418] : memref<67108864xf32, #tpu.memory_space<hbm>> -> memref<2048xf32, #tpu.memory_space<hbm>>
      %dma_wait3A_525 = tpu.memref_slice %arg5[%multiple_of3A_411] : memref<32896xf32, #tpu.memory_space<vmem>> -> memref<2048xf32, #tpu.memory_space<vmem>>
      tpu.wait_dma2 semaphore(%arg6 : memref<!tpu.dma_semaphore, #tpu.memory_space<semaphore_mem>>) src(%dma_wait3A_525 : memref<2048xf32, #tpu.memory_space<vmem>>) dst(%dma_wait3A_524 : memref<2048xf32, #tpu.memory_space<hbm>>)
      %dma_wait3A_526 = tpu.memref_slice %arg5[%multiple_of3A_425] : memref<32896xf32, #tpu.memory_space<vmem>> -> memref<2048xf32, #tpu.memory_space<vmem>>
      %dma_wait3A_527 = tpu.memref_slice %arg3[%multiple_of3A_432] : memref<67108864xf32, #tpu.memory_space<hbm>> -> memref<2048xf32, #tpu.memory_space<hbm>>
      %dma_wait3A_528 = tpu.memref_slice %arg3[%multiple_of3A_432] : memref<67108864xf32, #tpu.memory_space<hbm>> -> memref<2048xf32, #tpu.memory_space<hbm>>
      %dma_wait3A_529 = tpu.memref_slice %arg5[%multiple_of3A_425] : memref<32896xf32, #tpu.memory_space<vmem>> -> memref<2048xf32, #tpu.memory_space<vmem>>
      tpu.wait_dma2 semaphore(%arg6 : memref<!tpu.dma_semaphore, #tpu.memory_space<semaphore_mem>>) src(%dma_wait3A_529 : memref<2048xf32, #tpu.memory_space<vmem>>) dst(%dma_wait3A_528 : memref<2048xf32, #tpu.memory_space<hbm>>)
      %dma_wait3A_530 = tpu.memref_slice %arg5[%multiple_of3A_439] : memref<32896xf32, #tpu.memory_space<vmem>> -> memref<2048xf32, #tpu.memory_space<vmem>>
      %dma_wait3A_531 = tpu.memref_slice %arg3[%multiple_of3A_446] : memref<67108864xf32, #tpu.memory_space<hbm>> -> memref<2048xf32, #tpu.memory_space<hbm>>
      %dma_wait3A_532 = tpu.memref_slice %arg3[%multiple_of3A_446] : memref<67108864xf32, #tpu.memory_space<hbm>> -> memref<2048xf32, #tpu.memory_space<hbm>>
      %dma_wait3A_533 = tpu.memref_slice %arg5[%multiple_of3A_439] : memref<32896xf32, #tpu.memory_space<vmem>> -> memref<2048xf32, #tpu.memory_space<vmem>>
      tpu.wait_dma2 semaphore(%arg6 : memref<!tpu.dma_semaphore, #tpu.memory_space<semaphore_mem>>) src(%dma_wait3A_533 : memref<2048xf32, #tpu.memory_space<vmem>>) dst(%dma_wait3A_532 : memref<2048xf32, #tpu.memory_space<hbm>>)
      %dma_wait3A_534 = tpu.memref_slice %arg5[%multiple_of3A_453] : memref<32896xf32, #tpu.memory_space<vmem>> -> memref<2048xf32, #tpu.memory_space<vmem>>
      %dma_wait3A_535 = tpu.memref_slice %arg3[%multiple_of3A_460] : memref<67108864xf32, #tpu.memory_space<hbm>> -> memref<2048xf32, #tpu.memory_space<hbm>>
      %dma_wait3A_536 = tpu.memref_slice %arg3[%multiple_of3A_460] : memref<67108864xf32, #tpu.memory_space<hbm>> -> memref<2048xf32, #tpu.memory_space<hbm>>
      %dma_wait3A_537 = tpu.memref_slice %arg5[%multiple_of3A_453] : memref<32896xf32, #tpu.memory_space<vmem>> -> memref<2048xf32, #tpu.memory_space<vmem>>
      tpu.wait_dma2 semaphore(%arg6 : memref<!tpu.dma_semaphore, #tpu.memory_space<semaphore_mem>>) src(%dma_wait3A_537 : memref<2048xf32, #tpu.memory_space<vmem>>) dst(%dma_wait3A_536 : memref<2048xf32, #tpu.memory_space<hbm>>)
      %dma_wait3A_538 = tpu.memref_slice %arg5[%multiple_of3A_467] : memref<32896xf32, #tpu.memory_space<vmem>> -> memref<2048xf32, #tpu.memory_space<vmem>>
      %dma_wait3A_539 = tpu.memref_slice %arg3[%multiple_of3A_474] : memref<67108864xf32, #tpu.memory_space<hbm>> -> memref<2048xf32, #tpu.memory_space<hbm>>
      %dma_wait3A_540 = tpu.memref_slice %arg3[%multiple_of3A_474] : memref<67108864xf32, #tpu.memory_space<hbm>> -> memref<2048xf32, #tpu.memory_space<hbm>>
      %dma_wait3A_541 = tpu.memref_slice %arg5[%multiple_of3A_467] : memref<32896xf32, #tpu.memory_space<vmem>> -> memref<2048xf32, #tpu.memory_space<vmem>>
      tpu.wait_dma2 semaphore(%arg6 : memref<!tpu.dma_semaphore, #tpu.memory_space<semaphore_mem>>) src(%dma_wait3A_541 : memref<2048xf32, #tpu.memory_space<vmem>>) dst(%dma_wait3A_540 : memref<2048xf32, #tpu.memory_space<hbm>>)
      %scan3A_542 = arith.constant 0 : i32
      scf.yield %scan3A_542 : i32
    }
    %scan3A_240 = arith.constant 64 : i32
    return
  }
}

</mosaic_0001>

<sc_bundles>
// kernel: kernel.3.cloned.1.call-start
scs
__scs_entry_jumppad:
0x0: {  	(pc) =	sbr.rel $0x88, $3  }
0x1: {  	(tag) =	ssettag $0x0;
	lr =	simm.s32 $0x1  }
0x2: {  	[smem:$0x3FA0] =	sst lr;
	_ =	strace $0xD0000000  }
0x3: {  	_ = 	snop  }
0x4: {  	_ = 	snop  }
0x5: {  	_ = 	snop  }
0x6: {  	_ = 	snop  }
0x7: {  	_ = 	snop  }
__scs_overlays_trampoline_lowered:
0x8: {  	[smem:$0x3FAF] =	sst s0  }
0x9: {  	[smem:$0x3FB0] =	sst s1  }
0xa: {  	[smem:$0x3FB1] =	sst s2  }
0xb: {  	[smem:$0x3FB2] =	sst s3  }
0xc: {  	[smem:$0x3FB3] =	sst s4  }
0xd: {  	[smem:$0x3FB4] =	sst s5  }
0xe: {  	[smem:$0x3FB5] =	sst s6  }
0xf: {  	[smem:$0x3FB6] =	sst s7  }
0x10: {  	[smem:$0x3FB7] =	sst s8  }
0x11: {  	[smem:$0x3FB8] =	sst s9;
	s0 =	simm.s32 @!p0 $0x0  }
0x12: {  	s1 =	sld [smem:$0x3F9E];
	s0 =	simm.s32 @p0 $0x1  }
0x13: {  	[smem:$0x3FB9] =	sst s0;
	s0 =	simm.s32 @!p1 $0x0  }
0x14: {  	s2 =	sld [smem:$0x3F9D];
	s0 =	simm.s32 @p1 $0x1  }
0x15: {  	[smem:$0x3FBA] =	sst s0;
	s0 =	simm.s32 @!p2 $0x0  }
0x16: {  	s3 =	sld [smem:$0x3FDB];
	s0 =	simm.s32 @p2 $0x1  }
0x17: {  	s4 =	simm.s32 $0x1BF5;
	[smem:$0x3FBC] =	sst s0  }
0x18: {  	s0 =	sld [smem:$0x3F9F];
	_ =	swait.ge [sflag:s4], $0x0  }
0x19: {  	s7 =	sld [smem:$0x3FA0]  }
0x1a: {  	s8 =	sadd.s32 $0xFFFFE003, lr  }
0x1b: {  	s9 =	sadd.s32 $0xFFFFFEF7, lr;
	s5 =	simm.s32 $0xFFFFFFFF;
	p2 =	slt.u32 s8, $0xFFFFF086  }
0x1c: {  	p1 =	slt.u32 s9, $0xF7A;
	s5 =	simm.s32 @!p2 $0x0  }
0x1d: {  	s5 =	simm.s32 @p1 $0x1;
	p0 =	seq.s32 s7, s2  }
0x1e: {  	s7 =	smul.u32 @!p0 $0xF7A, s2;
	p2 =	seq.s32 @!p0 s5, $0x0  }
0x1f: {  	s9 =	smul.u32 $0xF7A, s1;
	s8 =	simm.s32 @!p0 $0x1BF5;
	p2 =	por !p2, p0  }
0x20: {  	[sflag:s8] =	ssyncset.s32 @!p0 $0xFFFFF086;
	s6 =	sadd.s32 @!p0 s3, s7;
	s7 =	simm.s32 @!p0 $0x108  }
0x21: {  	s3 =	sadd.s32 s3, s9;
	s6 =	sadd.s32 @!p0 $0x88, s6;
	s7 =	simm.s32 @p2 $0x1082  }
0x22: {  	[simem:s7], [sflag:s8] =	dma.local @!p0 [hbm:s6], $0xF7A  }
0x23: {  	s9 =	sor.u32 $0xD0000000, s2;
	s6 =	simm.s32 $0x108;
	_ =	swait.ge @!p0 [sflag:s8], $0x0  }
0x24: {  	s3 =	sadd.s32 $0x88, s3;
	s6 =	simm.s32 @!p1 $0x1082;
	[sflag:s4] =	ssyncset.s32 $0xFFFFF086  }
0x25: {  	[simem:s6], [sflag:s4] =	dma.local [hbm:s3], $0xF7A  }
0x26: {  	[smem:$0x3FA0] =	sst s1;
	(tag) =	ssettag s2;
	_ =	strace s9  }
0x27: {  	s1 =	sld [smem:$0x3FB0]  }
0x28: {  	s2 =	sld [smem:$0x3FB1]  }
0x29: {  	s4 =	sld [smem:$0x3FB3]  }
0x2a: {  	p0 =	seq.s32 s5, $0x0;
	s5 =	sld [smem:$0x3FB4]  }
0x2b: {  	s6 =	sld [smem:$0x3FB5]  }
0x2c: {  	s7 =	sld [smem:$0x3FB6]  }
0x2d: {  	s3 =	simm.s32 $0x108;
	s8 =	sld [smem:$0x3FB7]  }
0x2e: {  	s3 =	simm.s32 @!p0 $0x1082;
	s9 =	sld [smem:$0x3FB8]  }
0x2f: {  	lr =	sadd.s32 s0, s3;
	s0 =	sld [smem:$0x3FAF]  }
0x30: {  	s3 =	sld [smem:$0x3FB2]  }
0x31: {  	[smem:$0x3FBB] =	sst s10  }
0x32: {  	s10 =	sld [smem:$0x3FB9];
	_ =	sdelay $0x3  }
0x33: {  	p0 =	seq.s32 s10, $0x1;
	s10 =	sld [smem:$0x3FBB];
	_ =	sdelay $0x3  }
0x34: {  	[smem:$0x3FBB] =	sst s10  }
0x35: {  	s10 =	sld [smem:$0x3FBA];
	_ =	sdelay $0x3  }
0x36: {  	p1 =	seq.s32 s10, $0x1;
	s10 =	sld [smem:$0x3FBB];
	_ =	sdelay $0x3  }
0x37: {  	[smem:$0x3FBB] =	sst s10  }
0x38: {  	s10 =	sld [smem:$0x3FBC]  }
0x39: {  	_ = 	snop;
	(pc) =	sbr.ind lr, $3  }
0x3a: {  	_ = 	snop  }
0x3b: {  	_ = 	snop  }
0x3c: {  	p2 =	seq.s32 s10, $0x1;
	s10 =	sld [smem:$0x3FBB]  }
0x3d: {  	_ =	shalt  }
0x3e: {  	_ =	shalt  }
0x3f: {  	_ =	shalt  }
0x40: {  	_ =	shalt  }
0x41: {  	_ =	shalt  }
0x42: {  	_ =	shalt  }
0x43: {  	_ =	shalt  }
0x44: {  	_ =	shalt  }
0x45: {  	_ =	shalt  }
0x46: {  	_ =	shalt  }
0x47: {  	_ =	shalt  }
0x48: {  	_ =	shalt  }
0x49: {  	_ =	shalt  }
0x4a: {  	_ =	shalt  }
0x4b: {  	_ =	shalt  }
0x4c: {  	_ =	shalt  }
0x4d: {  	_ =	shalt  }
0x4e: {  	_ =	shalt  }
0x4f: {  	_ =	shalt  }
0x50: {  	_ =	shalt  }
0x51: {  	_ =	shalt  }
0x52: {  	_ =	shalt  }
0x53: {  	_ =	shalt  }
0x54: {  	_ =	shalt  }
0x55: {  	_ =	shalt  }
0x56: {  	_ =	shalt  }
0x57: {  	_ =	shalt  }
0x58: {  	_ =	shalt  }
0x59: {  	_ =	shalt  }
0x5a: {  	_ =	shalt  }
0x5b: {  	_ =	shalt  }
0x5c: {  	_ =	shalt  }
0x5d: {  	_ =	shalt  }
0x5e: {  	_ =	shalt  }
0x5f: {  	_ =	shalt  }
0x60: {  	_ =	shalt  }
0x61: {  	_ =	shalt  }
0x62: {  	_ =	shalt  }
0x63: {  	_ =	shalt  }
0x64: {  	_ =	shalt  }
0x65: {  	_ =	shalt  }
0x66: {  	_ =	shalt  }
0x67: {  	_ =	shalt  }
0x68: {  	_ =	shalt  }
0x69: {  	_ =	shalt  }
0x6a: {  	_ =	shalt  }
0x6b: {  	_ =	shalt  }
0x6c: {  	_ =	shalt  }
0x6d: {  	_ =	shalt  }
0x6e: {  	_ =	shalt  }
0x6f: {  	_ =	shalt  }
0x70: {  	_ =	shalt  }
0x71: {  	_ =	shalt  }
0x72: {  	_ =	shalt  }
0x73: {  	_ =	shalt  }
0x74: {  	_ =	shalt  }
0x75: {  	_ =	shalt  }
0x76: {  	_ =	shalt  }
0x77: {  	_ =	shalt  }
0x78: {  	_ =	shalt  }
0x79: {  	_ =	shalt  }
0x7a: {  	_ =	shalt  }
0x7b: {  	_ =	shalt  }
0x7c: {  	_ =	shalt  }
0x7d: {  	_ =	shalt  }
0x7e: {  	_ =	shalt  }
0x7f: {  	_ =	shalt  }
0x80: {  	_ =	shalt  }
0x81: {  	_ =	shalt  }
0x82: {  	_ =	shalt  }
0x83: {  	_ =	shalt  }
0x84: {  	_ =	shalt  }
0x85: {  	_ =	shalt  }
0x86: {  	_ =	shalt  }
0x87: {  	_ =	shalt  }
.Lfunc_end0:
.L_simem_size_0:
called_computation_lowered:
.L_overlay_start_0:
0x88: {  	s2 =	sld [smem:$0x3FD9]  }
0x89: {  	s3 =	sld [smem:$0x3FFE];
	_ =	sdelay $0x1  }
0x8a: {  	s1 =	srdreg.scid  }
0x8b: {  	s0 =	sand.u32 $0x1, s1  }
0x8c: {  	s17 =	sshll.u32 s0, $0xA;
	s2 =	sadd.s32 s3, s2  }
0x8d: {  	s2 =	sadd.s32 s2, s17  }
0x8e: {  	[smem:$0x3FC7] =	sst s2  }
0x8f: {  	_ = 	snop  }
0x90: {  	s2 =	sld [smem:$0x3FD0];
	(tm) =	ssettm $0x1  }
0x91: {  	s18 =	sld [smem:$0x3FFB];
	_ =	sdelay $0x3  }
0x92: {  	_ =	strace s18  }
0x93: {  	s3 =	sld [smem:$0x3FFC];
	_ =	sdelay $0x3  }
0x94: {  	_ =	strace s3  }
0x95: {  	s3 =	sld [smem:$0x3FFD];
	_ =	sdelay $0x3  }
0x96: {  	_ =	strace s3  }
0x97: {  	_ =	strace $0x8FFFFFFF  }
0x98: {  	s19 =	sld [smem:$0x3FDB];
	_ =	sdelay $0x1  }
0x99: {  	s4 =	simm.s32 $_scs_section_size  }
0x9a: {  	s5 =	simm.s32 $_size__tile_overlayer_lowered;
	s6 =	simm.s32 $_tile_overlayer_lowered  }
0x9b: {  	s22 =	simm.s32 $0x1BFF;
	s21 =	sshll.u32 s6, $0x1;
	s3 =	sadd.s32 s4, s19  }
0x9c: {  	s7 =	simm.s32 $0x0;
	s20 =	sshll.u32 s5, $0x1;
	s5 =	sadd.s32 s21, s3  }
0x9d: {  	[timem:s7], [sflag:s22] =	dma.local [hbm:s5], s20  }
0x9e: {  	_ =	swait.ge [sflag:s22], s20  }
0x9f: {  	s4 =	ssub.s32 $0x0, s20;
	[sflag:s22] =	ssyncset.done $0x0  }
0xa0: {  	[sflag:s22] =	ssyncadd.s32 s4;
	_ =	sdelay $0x1  }
0xa1: {  	s23 =	simm.s32 $0x1B8B  }
0xa2: {  	_ =	swait.ge [sflag:s23], $0x1  }
0xa3: {  	[sflag:s23] =	ssyncset.done $0x0  }
0xa4: {  	s25 =	simm.s32 $0x1B8E;
	s24 =	sld [smem:$0x3FFE];
	[sflag:s23] =	ssyncadd.s32 $0xFFFFFFFF  }
0xa5: {  	s26 =	simm.s32 $execute0_lowered;
	[smem:$0x3FD2] =	sst s25  }
0xa6: {  	s5 =	sshll.u32 s26, $0x1;
	_ =	strace $0x80000046;
	[dreg:$0x1] =	wrdreg $0xFFFFFFFF  }
0xa7: {  	s28 =	simm.s32 $_size_execute0_lowered;
	s3 =	sadd.s32 s3, s5;
	[dreg:$0x0] =	wrdreg $0x0  }
0xa8: {  	s5 =	sshll.u32 s28, $0x1;
	[dreg:$0x2] =	wrdreg s3  }
0xa9: {  	[dreg:$0x3] =	wrdreg s5  }
0xaa: {  	[dreg:$0x4] =	wrdreg $0xC0  }
0xab: {  	_ =	task [dreg:s7], $0x5FFFF  }
0xac: {  	[dreg:$0x1] =	wrdreg $0xFFFFFFFF  }
0xad: {  	[dreg:$0x0] =	wrdreg $0x60  }
0xae: {  	[dreg:$0x2] =	wrdreg s2  }
0xaf: {  	[dreg:$0x3] =	wrdreg s24  }
0xb0: {  	[dreg:$0x4] =	wrdreg $0x9  }
0xb1: {  	_ =	task.clear_ibuf [dreg:s7], $0x5FFFF;
	_ =	strace $0x90000046  }
0xb2: {  	s29 =	simm.s32 $0x9;
	_ =	strace $0x80000048  }
0xb3: {  	_ =	swait.ge [sflag:s29], $0x1  }
0xb4: {  	[sflag:s29] =	ssyncadd.s32 $0xFFFFFFFF  }
0xb5: {  	_ =	strace $0x90000048  }
0xb6: {  	_ =	sfence  }
0xb7: {  	s30 =	sld [smem:$0x0];
	_ =	sdelay $0x2  }
0xb8: {  	s31 =	sshll.u32 s1, $0xD;
	s1 =	sshrl.u32 s1, $0x2  }
0xb9: {  	s3 =	sand.u32 $0x4000, s31;
	s1 =	sadd.s32 s1, s30  }
0xba: {  	s0 =	sor.u32 s3, s0;
	s1 =	sshll.u32 s1, $0x11  }
0xbb: {  	s0 =	sor.u32 s1, s0  }
0xbc: {  	s0 =	sadd.s32 $0x8F2B, s0  }
0xbd: {  	[sflag:s0] =	ssyncadd.remote.s32 $0x1  }
0xbe: {  	_ =	sfence.sel $0xFFFF  }
0xbf: {  	[dreg:$0x0] =	wrdreg $0xFFFFFFFF;
	(pc) =	sbr.abs _section_cstart, $3  }
0xc0: {  	[dreg:$0x1] =	wrdreg $0xFFFFFFFF  }
0xc1: {  	_ =	task.clear_ibuf [dreg:s7], $0x2FFFF;
	_ =	strace $0x9FFFFFFF  }
0xc2: {  	(tm) =	ssettm $0x7FFFFFFF  }
0xc3: {  	_ =	shalt  }
tec
execute0_lowered:
.L_overlay_start_1:
0x0: {  	(tag) =	ssettag $0x1  }
0x1: {  	s2 =	rddreg [dreg:$0x0]  }
0x2: {  	s0 =	stileid.u32;
	s1 =	srdreg.scid  }
0x3: {  	s4 =	rddreg [dreg:$0x1];
	s3 =	simm.s32 $0x0;
	s8 =	simm.s32 $0x1  }
0x4: {  	s7 =	sand.u32 $0x1, s1;
	s5 =	sshll.u32 s0, $0x1;
	s1 =	rddreg [dreg:$0x2]  }
0x5: {  	[smem:$0x7FF] =	sst s3;
	s28 =	sshll.u32 s0, $0x13;
	s31 =	sshll.u32 s0, $0xB  }
0x6: {  	s5 =	sor.u32 s7, s5;
	p1 =	seq.s32 s7, $0x1;
	_ =	strace $0x80000047  }
0x7: {  	s6 =	ssub.s32 $0x2, s7;
	s9 =	sshll.u32 s7, $0x12;
	p0 =	seq.s32 s5, $0x0  }
0x8: {  	s7 =	sshll.u32 s7, $0xA;
	s5 =	sadd.s32 s28, s4;
	p0 =	por !p0, !p1  }
0x9: {  	s29 =	sshrl.u32 s6, $0x1;
	s4 =	simm.s32 $0x1;
	p0 =	por !p0, !p0  }
0xa: {  	s7 =	sor.u32 s7, s31;
	s6 =	ssub.s32 s6, s29;
	s8 =	simm.s32 @!p0 $0x0  }
0xb: {  	s9 =	sadd.s32 s9, s5;
	s6 =	smax.u32 s6, $0x1;
	s8 =	ssub.s32 s0, s8  }
0xc: {  	s30 =	sadd.s32 $0x400, s9;
	s9 =	simm.s32 $0x0;
	s8 =	sshll.u32 s8, $0x8  }
0xd: {  	[dreg:$0x3] =	wrdreg s30;
	s5 =	sshra.s32 s8, $0x2;
	s8 =	simm.s32 $0x2  }
.LBB2_1:
0xe: {  	[tilespmem:s3], [sflag:$0x2] =	stream.linear.gather [hbm4b:s2+s3], $0x400, $0x38;
	[tilespmem:$0x8480] =	vst v63  }
0xf: {  	_ =	swait.ge [sflag:s8], $0x400  }
0x10: {  	[sflag:s8] =	ssyncset.done $0x0  }
0x11: {  	[sflag:s8] =	ssyncadd.s32 $0xFFFFFC00  }
0x12: {  	v1 =	vld [tilespmem:s5+$0x0]  }
0x13: {  	v0 =	vld [tilespmem:s5+$0x30];
	_ =	sdelay $0x3  }
0x14: {  	v2 =	vld [tilespmem:s5+$0x10]  }
0x15: {  	s10 =	simm.s32 $0x400;
	s11 =	simm.s32 $0x0;
	v3 =	vld [tilespmem:s5+$0x20];
	v4 =	vbroadcast v1, $0x0;
	v5 =	vbroadcast v0, $0xE  }
.LBB2_2:
0x16: {  	p0 =	slt.u32 s11, $0x80  }
0x17: {  	v6 =	vpsel p0, v4, v5;
	p0 =	sne.s32 s11, $0x100  }
.Ltmp0:
0x18: {  	_ = 	snop;
	(pc) =	sbr.rel @p0 .LBB2_2-.Ltmp0, $2  }
0x19: {  	_ =	sdelay $0x2  }
0x1a: {  	s11 =	sadd.s32 $0x1, s11;
	[tilespmem:s10+$0x0] =	vst v6;
	s10 =	sadd.s32 $0x10, s10  }
0x1b: {  	s10 =	simm.s32 $0x0;
	s11 =	simm.s32 $0x1410;
	s12 =	simm.s32 $0x0  }
.LBB2_4:
0x1c: {  	p0 =	slt.u32 s12, $0x80  }
0x1d: {  	v6 =	vpsel p0, v4, v5;
	p0 =	sne.s32 s12, $0x100  }
.Ltmp1:
0x1e: {  	_ = 	snop;
	(pc) =	sbr.rel @p0 .LBB2_4-.Ltmp1, $2  }
0x1f: {  	_ =	sdelay $0x2  }
0x20: {  	s12 =	sadd.s32 $0x1, s12;
	[tilespmem:s11+$0x0] =	vst v6;
	s11 =	sadd.s32 $0x10, s11  }
0x21: {  	s11 =	simm.s32 $0x2420  }
.LBB2_6:
0x22: {  	p0 =	slt.u32 s10, $0x80  }
0x23: {  	v6 =	vpsel p0, v4, v5;
	p0 =	sne.s32 s10, $0x100  }
.Ltmp2:
0x24: {  	_ = 	snop;
	(pc) =	sbr.rel @p0 .LBB2_6-.Ltmp2, $2  }
0x25: {  	_ =	sdelay $0x2  }
0x26: {  	s10 =	sadd.s32 $0x1, s10;
	[tilespmem:s11+$0x0] =	vst v6;
	s11 =	sadd.s32 $0x10, s11  }
0x27: {  	s10 =	simm.s32 $0x0;
	s11 =	simm.s32 $0x3430;
	s12 =	simm.s32 $0x0  }
.LBB2_8:
0x28: {  	p0 =	slt.u32 s12, $0x80  }
0x29: {  	v6 =	vpsel p0, v4, v5;
	p0 =	sne.s32 s12, $0x100  }
.Ltmp3:
0x2a: {  	_ = 	snop;
	(pc) =	sbr.rel @p0 .LBB2_8-.Ltmp3, $2  }
0x2b: {  	_ =	sdelay $0x2  }
0x2c: {  	s12 =	sadd.s32 $0x1, s12;
	[tilespmem:s11+$0x0] =	vst v6;
	s11 =	sadd.s32 $0x10, s11  }
0x2d: {  	s11 =	simm.s32 $0x4440  }
.LBB2_10:
0x2e: {  	p0 =	slt.u32 s10, $0x80  }
0x2f: {  	v6 =	vpsel p0, v4, v5;
	p0 =	sne.s32 s10, $0x100  }
.Ltmp4:
0x30: {  	_ = 	snop;
	(pc) =	sbr.rel @p0 .LBB2_10-.Ltmp4, $2  }
0x31: {  	_ =	sdelay $0x2  }
0x32: {  	s10 =	sadd.s32 $0x1, s10;
	[tilespmem:s11+$0x0] =	vst v6;
	s11 =	sadd.s32 $0x10, s11  }
0x33: {  	s10 =	simm.s32 $0x0;
	s11 =	simm.s32 $0x5450;
	s12 =	simm.s32 $0x0  }
.LBB2_12:
0x34: {  	p0 =	slt.u32 s12, $0x80  }
0x35: {  	v6 =	vpsel p0, v4, v5;
	p0 =	sne.s32 s12, $0x100  }
.Ltmp5:
0x36: {  	_ = 	snop;
	(pc) =	sbr.rel @p0 .LBB2_12-.Ltmp5, $2  }
0x37: {  	_ =	sdelay $0x2  }
0x38: {  	s12 =	sadd.s32 $0x1, s12;
	[tilespmem:s11+$0x0] =	vst v6;
	s11 =	sadd.s32 $0x10, s11  }
0x39: {  	s11 =	simm.s32 $0x6460  }
.LBB2_14:
0x3a: {  	p0 =	slt.u32 s10, $0x80  }
0x3b: {  	v6 =	vpsel p0, v4, v5;
	p0 =	sne.s32 s10, $0x100  }
.Ltmp6:
0x3c: {  	_ = 	snop;
	(pc) =	sbr.rel @p0 .LBB2_14-.Ltmp6, $2  }
0x3d: {  	_ =	sdelay $0x2  }
0x3e: {  	s10 =	sadd.s32 $0x1, s10;
	[tilespmem:s11+$0x0] =	vst v6;
	s11 =	sadd.s32 $0x10, s11  }
0x3f: {  	p0 =	por $0x1, $0x1  }
0x40: {  	s10 =	simm.s32 $0x7470;
	v6 =	vpsel p0, v4, v5  }
0x41: {  	s11 =	simm.s32 $0x1;
	[tilespmem:s10+$0x0] =	vst v6  }
.LBB2_16:
0x42: {  	p1 =	sne.s32 s11, $0x100  }
.Ltmp7:
0x43: {  	_ = 	snop;
	(pc) =	sbr.rel @p1 .LBB2_16-.Ltmp7, $4  }
0x44: {  	_ = 	snop  }
0x45: {  	p0 =	slt.u32 s11, $0x80;
	s11 =	sadd.s32 $0x1, s11  }
0x46: {  	s10 =	sadd.s32 $0x10, s10;
	v6 =	vpsel p0, v4, v5  }
0x47: {  	[tilespmem:s10+$0x0] =	vst v6  }
0x48: {  	[tilespmem:$0xBE0] =	vst v1  }
0x49: {  	[tilespmem:$0xBF0] =	vst v2  }
0x4a: {  	[tilespmem:$0xC00] =	vst v3  }
0x4b: {  	[tilespmem:$0xC10] =	vst v0  }
0x4c: {  	[tilespmem:$0x1BEF] =	vst v1  }
0x4d: {  	[tilespmem:$0x1BFF] =	vst v2  }
0x4e: {  	[tilespmem:$0x1C0F] =	vst v3  }
0x4f: {  	[tilespmem:$0x1C1F] =	vst v0  }
0x50: {  	[tilespmem:$0x2BFE] =	vst v1  }
0x51: {  	[tilespmem:$0x2C0E] =	vst v2  }
0x52: {  	[tilespmem:$0x2C1E] =	vst v3  }
0x53: {  	[tilespmem:$0x2C2E] =	vst v0  }
0x54: {  	[tilespmem:$0x3C0D] =	vst v1  }
0x55: {  	[tilespmem:$0x3C1D] =	vst v2  }
0x56: {  	[tilespmem:$0x3C2D] =	vst v3  }
0x57: {  	[tilespmem:$0x3C3D] =	vst v0  }
0x58: {  	[tilespmem:$0x4C1C] =	vst v1  }
0x59: {  	[tilespmem:$0x4C2C] =	vst v2  }
0x5a: {  	[tilespmem:$0x4C3C] =	vst v3  }
0x5b: {  	[tilespmem:$0x4C4C] =	vst v0  }
0x5c: {  	[tilespmem:$0x5C2B] =	vst v1  }
0x5d: {  	[tilespmem:$0x5C3B] =	vst v2  }
0x5e: {  	[tilespmem:$0x5C4B] =	vst v3  }
0x5f: {  	[tilespmem:$0x5C5B] =	vst v0  }
0x60: {  	[tilespmem:$0x6C3A] =	vst v1  }
0x61: {  	[tilespmem:$0x6C4A] =	vst v2  }
0x62: {  	[tilespmem:$0x6C5A] =	vst v3  }
0x63: {  	[tilespmem:$0x6C6A] =	vst v0  }
0x64: {  	[tilespmem:$0x7C49] =	vst v1  }
0x65: {  	[tilespmem:$0x7C59] =	vst v2  }
0x66: {  	s10 =	rddreg [dreg:$0x3];
	[tilespmem:$0x7C69] =	vst v3;
	s11 =	sand.u32 $0x7F0, s7  }
0x67: {  	[tilespmem:$0x7C79] =	vst v0;
	s10 =	sadd.s32 $0x0, s10;
	s12 =	ssub.s32 $0x7C68, s11  }
0x68: {  	[hbm4b:s10+s3] =	stream.linear.scatter [tilespmem:s12], [sflag:$0x1], $0x800, $0x38;
	[tilespmem:$0x8480] =	vst v63  }
0x69: {  	s13 =	ssub.s32 $0x6C58, s11;
	s22 =	sadd.s32 $0x100, s10  }
0x6a: {  	[hbm4b:s22+s3] =	stream.linear.scatter [tilespmem:s13], [sflag:$0x1], $0x800, $0x38;
	[tilespmem:$0x8480] =	vst v63  }
0x6b: {  	s24 =	ssub.s32 $0x5C48, s11;
	s23 =	sadd.s32 $0x200, s10  }
0x6c: {  	[hbm4b:s23+s3] =	stream.linear.scatter [tilespmem:s24], [sflag:$0x1], $0x800, $0x38;
	[tilespmem:$0x8480] =	vst v63  }
0x6d: {  	s26 =	ssub.s32 $0x4C38, s11;
	s25 =	sadd.s32 $0x300, s10  }
0x6e: {  	[hbm4b:s25+s3] =	stream.linear.scatter [tilespmem:s26], [sflag:$0x1], $0x800, $0x38;
	[tilespmem:$0x8480] =	vst v63  }
0x6f: {  	s29 =	ssub.s32 $0x3C28, s11;
	s28 =	sadd.s32 $0x400, s10  }
0x70: {  	[hbm4b:s28+s3] =	stream.linear.scatter [tilespmem:s29], [sflag:$0x1], $0x800, $0x38;
	[tilespmem:$0x8480] =	vst v63  }
0x71: {  	s31 =	ssub.s32 $0x2C18, s11;
	s30 =	sadd.s32 $0x500, s10  }
0x72: {  	[hbm4b:s30+s3] =	stream.linear.scatter [tilespmem:s31], [sflag:$0x1], $0x800, $0x38;
	[tilespmem:$0x8480] =	vst v63  }
0x73: {  	s14 =	ssub.s32 $0x1C08, s11;
	s13 =	sadd.s32 $0x600, s10  }
0x74: {  	[hbm4b:s13+s3] =	stream.linear.scatter [tilespmem:s14], [sflag:$0x1], $0x800, $0x38;
	[tilespmem:$0x8480] =	vst v63  }
0x75: {  	s16 =	ssub.s32 $0xBF8, s11;
	s15 =	sadd.s32 $0x700, s10  }
0x76: {  	[hbm4b:s15+s3] =	stream.linear.scatter [tilespmem:s16], [sflag:$0x1], $0x800, $0x38;
	[tilespmem:$0x8480] =	vst v63  }
0x77: {  	s18 =	ssub.s32 $0x7C60, s11;
	s17 =	sadd.s32 $0x800, s10  }
0x78: {  	[hbm4b:s17+s3] =	stream.linear.scatter [tilespmem:s18], [sflag:$0x1], $0x800, $0x38;
	[tilespmem:$0x8480] =	vst v63  }
0x79: {  	s20 =	ssub.s32 $0x6C50, s11;
	s19 =	sadd.s32 $0x900, s10  }
0x7a: {  	[hbm4b:s19+s3] =	stream.linear.scatter [tilespmem:s20], [sflag:$0x1], $0x800, $0x38;
	[tilespmem:$0x8480] =	vst v63  }
0x7b: {  	s21 =	sadd.s32 $0xA00, s10;
	s22 =	ssub.s32 $0x5C40, s11  }
0x7c: {  	[hbm4b:s21+s3] =	stream.linear.scatter [tilespmem:s22], [sflag:$0x1], $0x800, $0x38;
	[tilespmem:$0x8480] =	vst v63  }
0x7d: {  	s23 =	sadd.s32 $0xB00, s10;
	s24 =	ssub.s32 $0x4C30, s11  }
0x7e: {  	[hbm4b:s23+s3] =	stream.linear.scatter [tilespmem:s24], [sflag:$0x1], $0x800, $0x38;
	[tilespmem:$0x8480] =	vst v63  }
0x7f: {  	s25 =	sadd.s32 $0xC00, s10;
	s26 =	ssub.s32 $0x3C20, s11  }
0x80: {  	[hbm4b:s25+s3] =	stream.linear.scatter [tilespmem:s26], [sflag:$0x1], $0x800, $0x38;
	[tilespmem:$0x8480] =	vst v63  }
0x81: {  	s28 =	sadd.s32 $0xD00, s10;
	s29 =	ssub.s32 $0x2C10, s11  }
0x82: {  	[hbm4b:s28+s3] =	stream.linear.scatter [tilespmem:s29], [sflag:$0x1], $0x800, $0x38;
	[tilespmem:$0x8480] =	vst v63  }
0x83: {  	s30 =	sadd.s32 $0xE00, s10;
	s31 =	ssub.s32 $0x1C00, s11  }
0x84: {  	[hbm4b:s30+s3] =	stream.linear.scatter [tilespmem:s31], [sflag:$0x1], $0x800, $0x38;
	[tilespmem:$0x8480] =	vst v63  }
0x85: {  	s10 =	sadd.s32 $0xF00, s10;
	s11 =	ssub.s32 $0xBF0, s11  }
0x86: {  	[hbm4b:s10+s3] =	stream.linear.scatter [tilespmem:s11], [sflag:$0x1], $0x800, $0x38;
	[tilespmem:$0x8480] =	vst v63  }
0x87: {  	_ =	swait.ge [sflag:s4], $0x800  }
0x88: {  	[sflag:s4] =	ssyncset.done $0x0  }
0x89: {  	[sflag:s4] =	ssyncadd.s32 $0xFFFFF800  }
0x8a: {  	_ =	swait.ge [sflag:s4], $0x800  }
0x8b: {  	[sflag:s4] =	ssyncset.done $0x0  }
0x8c: {  	[sflag:s4] =	ssyncadd.s32 $0xFFFFF800  }
0x8d: {  	_ =	swait.ge [sflag:s4], $0x800  }
0x8e: {  	[sflag:s4] =	ssyncset.done $0x0  }
0x8f: {  	[sflag:s4] =	ssyncadd.s32 $0xFFFFF800  }
0x90: {  	_ =	swait.ge [sflag:s4], $0x800  }
0x91: {  	[sflag:s4] =	ssyncset.done $0x0  }
0x92: {  	[sflag:s4] =	ssyncadd.s32 $0xFFFFF800  }
0x93: {  	_ =	swait.ge [sflag:s4], $0x800  }
0x94: {  	[sflag:s4] =	ssyncset.done $0x0  }
0x95: {  	[sflag:s4] =	ssyncadd.s32 $0xFFFFF800  }
0x96: {  	_ =	swait.ge [sflag:s4], $0x800  }
0x97: {  	[sflag:s4] =	ssyncset.done $0x0  }
0x98: {  	[sflag:s4] =	ssyncadd.s32 $0xFFFFF800  }
0x99: {  	_ =	swait.ge [sflag:s4], $0x800  }
0x9a: {  	[sflag:s4] =	ssyncset.done $0x0  }
0x9b: {  	[sflag:s4] =	ssyncadd.s32 $0xFFFFF800  }
0x9c: {  	_ =	swait.ge [sflag:s4], $0x800  }
0x9d: {  	[sflag:s4] =	ssyncset.done $0x0  }
0x9e: {  	[sflag:s4] =	ssyncadd.s32 $0xFFFFF800  }
0x9f: {  	_ =	swait.ge [sflag:s4], $0x800  }
0xa0: {  	[sflag:s4] =	ssyncset.done $0x0  }
0xa1: {  	[sflag:s4] =	ssyncadd.s32 $0xFFFFF800  }
0xa2: {  	_ =	swait.ge [sflag:s4], $0x800  }
0xa3: {  	[sflag:s4] =	ssyncset.done $0x0  }
0xa4: {  	[sflag:s4] =	ssyncadd.s32 $0xFFFFF800  }
0xa5: {  	_ =	swait.ge [sflag:s4], $0x800  }
0xa6: {  	[sflag:s4] =	ssyncset.done $0x0  }
0xa7: {  	[sflag:s4] =	ssyncadd.s32 $0xFFFFF800  }
0xa8: {  	_ =	swait.ge [sflag:s4], $0x800  }
0xa9: {  	[sflag:s4] =	ssyncset.done $0x0  }
0xaa: {  	[sflag:s4] =	ssyncadd.s32 $0xFFFFF800  }
0xab: {  	_ =	swait.ge [sflag:s4], $0x800  }
0xac: {  	[sflag:s4] =	ssyncset.done $0x0  }
0xad: {  	[sflag:s4] =	ssyncadd.s32 $0xFFFFF800  }
0xae: {  	_ =	swait.ge [sflag:s4], $0x800  }
0xaf: {  	[sflag:s4] =	ssyncset.done $0x0  }
0xb0: {  	[sflag:s4] =	ssyncadd.s32 $0xFFFFF800  }
0xb1: {  	_ =	swait.ge [sflag:s4], $0x800  }
0xb2: {  	[sflag:s4] =	ssyncset.done $0x0  }
0xb3: {  	[sflag:s4] =	ssyncadd.s32 $0xFFFFF800  }
0xb4: {  	s12 =	smov.u32 s7;
	s10 =	simm.s32 $0x1000;
	_ =	swait.ge [sflag:s4], $0x800  }
0xb5: {  	s11 =	simm.s32 $0x2000;
	s14 =	rddreg [dreg:$0x3];
	[sflag:s4] =	ssyncset.done $0x0  }
.LBB2_18:
0xb6: {  	s12 =	sadd.s32 $0x10, s12  }
0xb7: {  	s13 =	sand.u32 $0x7F0, s12  }
0xb8: {  	[sflag:s4] =	ssyncadd.s32 $0xFFFFF800;
	s14 =	sadd.s32 s10, s14;
	s16 =	ssub.s32 $0x7C68, s13  }
0xb9: {  	[hbm4b:s14+s3] =	stream.linear.scatter [tilespmem:s16], [sflag:$0x1], $0x800, $0x38;
	[tilespmem:$0x8480] =	vst v63  }
0xba: {  	s17 =	sadd.s32 $0x100, s14;
	s18 =	ssub.s32 $0x6C58, s13  }
0xbb: {  	[hbm4b:s17+s3] =	stream.linear.scatter [tilespmem:s18], [sflag:$0x1], $0x800, $0x38;
	[tilespmem:$0x8480] =	vst v63  }
0xbc: {  	s19 =	sadd.s32 $0x200, s14;
	s20 =	ssub.s32 $0x5C48, s13  }
0xbd: {  	[hbm4b:s19+s3] =	stream.linear.scatter [tilespmem:s20], [sflag:$0x1], $0x800, $0x38;
	[tilespmem:$0x8480] =	vst v63  }
0xbe: {  	s21 =	sadd.s32 $0x300, s14;
	s22 =	ssub.s32 $0x4C38, s13  }
0xbf: {  	[hbm4b:s21+s3] =	stream.linear.scatter [tilespmem:s22], [sflag:$0x1], $0x800, $0x38;
	[tilespmem:$0x8480] =	vst v63  }
0xc0: {  	s23 =	sadd.s32 $0x400, s14;
	s24 =	ssub.s32 $0x3C28, s13  }
0xc1: {  	[hbm4b:s23+s3] =	stream.linear.scatter [tilespmem:s24], [sflag:$0x1], $0x800, $0x38;
	[tilespmem:$0x8480] =	vst v63  }
0xc2: {  	s25 =	sadd.s32 $0x500, s14;
	s26 =	ssub.s32 $0x2C18, s13  }
0xc3: {  	[hbm4b:s25+s3] =	stream.linear.scatter [tilespmem:s26], [sflag:$0x1], $0x800, $0x38;
	[tilespmem:$0x8480] =	vst v63  }
0xc4: {  	s28 =	sadd.s32 $0x600, s14;
	s29 =	ssub.s32 $0x1C08, s13  }
0xc5: {  	[hbm4b:s28+s3] =	stream.linear.scatter [tilespmem:s29], [sflag:$0x1], $0x800, $0x38;
	[tilespmem:$0x8480] =	vst v63  }
0xc6: {  	s30 =	sadd.s32 $0x700, s14;
	s31 =	ssub.s32 $0xBF8, s13  }
0xc7: {  	[hbm4b:s30+s3] =	stream.linear.scatter [tilespmem:s31], [sflag:$0x1], $0x800, $0x38;
	[tilespmem:$0x8480] =	vst v63  }
0xc8: {  	s17 =	sadd.s32 $0x800, s14;
	s18 =	ssub.s32 $0x7C60, s13  }
0xc9: {  	[hbm4b:s17+s3] =	stream.linear.scatter [tilespmem:s18], [sflag:$0x1], $0x800, $0x38;
	[tilespmem:$0x8480] =	vst v63  }
0xca: {  	s19 =	sadd.s32 $0x900, s14;
	s20 =	ssub.s32 $0x6C50, s13  }
0xcb: {  	[hbm4b:s19+s3] =	stream.linear.scatter [tilespmem:s20], [sflag:$0x1], $0x800, $0x38;
	[tilespmem:$0x8480] =	vst v63  }
0xcc: {  	s21 =	sadd.s32 $0xA00, s14;
	s22 =	ssub.s32 $0x5C40, s13  }
0xcd: {  	[hbm4b:s21+s3] =	stream.linear.scatter [tilespmem:s22], [sflag:$0x1], $0x800, $0x38;
	[tilespmem:$0x8480] =	vst v63  }
0xce: {  	s23 =	sadd.s32 $0xB00, s14;
	s24 =	ssub.s32 $0x4C30, s13  }
0xcf: {  	[hbm4b:s23+s3] =	stream.linear.scatter [tilespmem:s24], [sflag:$0x1], $0x800, $0x38;
	[tilespmem:$0x8480] =	vst v63  }
0xd0: {  	s25 =	sadd.s32 $0xC00, s14;
	s26 =	ssub.s32 $0x3C20, s13  }
0xd1: {  	[hbm4b:s25+s3] =	stream.linear.scatter [tilespmem:s26], [sflag:$0x1], $0x800, $0x38;
	[tilespmem:$0x8480] =	vst v63  }
0xd2: {  	s28 =	sadd.s32 $0xD00, s14;
	s29 =	ssub.s32 $0x2C10, s13  }
0xd3: {  	[hbm4b:s28+s3] =	stream.linear.scatter [tilespmem:s29], [sflag:$0x1], $0x800, $0x38;
	[tilespmem:$0x8480] =	vst v63  }
0xd4: {  	s30 =	sadd.s32 $0xE00, s14;
	s31 =	ssub.s32 $0x1C00, s13  }
0xd5: {  	[hbm4b:s30+s3] =	stream.linear.scatter [tilespmem:s31], [sflag:$0x1], $0x800, $0x38;
	[tilespmem:$0x8480] =	vst v63  }
0xd6: {  	s14 =	sadd.s32 $0xF00, s14;
	s13 =	ssub.s32 $0xBF0, s13  }
0xd7: {  	[hbm4b:s14+s3] =	stream.linear.scatter [tilespmem:s13], [sflag:$0x1], $0x800, $0x38;
	[tilespmem:$0x8480] =	vst v63  }
0xd8: {  	_ =	swait.ge [sflag:s4], $0x800  }
0xd9: {  	[sflag:s4] =	ssyncset.done $0x0  }
0xda: {  	[sflag:s4] =	ssyncadd.s32 $0xFFFFF800  }
0xdb: {  	_ =	swait.ge [sflag:s4], $0x800  }
0xdc: {  	[sflag:s4] =	ssyncset.done $0x0  }
0xdd: {  	[sflag:s4] =	ssyncadd.s32 $0xFFFFF800  }
0xde: {  	_ =	swait.ge [sflag:s4], $0x800  }
0xdf: {  	[sflag:s4] =	ssyncset.done $0x0  }
0xe0: {  	[sflag:s4] =	ssyncadd.s32 $0xFFFFF800  }
0xe1: {  	_ =	swait.ge [sflag:s4], $0x800  }
0xe2: {  	[sflag:s4] =	ssyncset.done $0x0  }
0xe3: {  	[sflag:s4] =	ssyncadd.s32 $0xFFFFF800  }
0xe4: {  	_ =	swait.ge [sflag:s4], $0x800  }
0xe5: {  	[sflag:s4] =	ssyncset.done $0x0  }
0xe6: {  	[sflag:s4] =	ssyncadd.s32 $0xFFFFF800  }
0xe7: {  	_ =	swait.ge [sflag:s4], $0x800  }
0xe8: {  	[sflag:s4] =	ssyncset.done $0x0  }
0xe9: {  	[sflag:s4] =	ssyncadd.s32 $0xFFFFF800  }
0xea: {  	_ =	swait.ge [sflag:s4], $0x800  }
0xeb: {  	[sflag:s4] =	ssyncset.done $0x0  }
0xec: {  	[sflag:s4] =	ssyncadd.s32 $0xFFFFF800  }
0xed: {  	_ =	swait.ge [sflag:s4], $0x800  }
0xee: {  	[sflag:s4] =	ssyncset.done $0x0  }
0xef: {  	[sflag:s4] =	ssyncadd.s32 $0xFFFFF800  }
0xf0: {  	_ =	swait.ge [sflag:s4], $0x800  }
0xf1: {  	[sflag:s4] =	ssyncset.done $0x0  }
0xf2: {  	[sflag:s4] =	ssyncadd.s32 $0xFFFFF800  }
0xf3: {  	_ =	swait.ge [sflag:s4], $0x800  }
0xf4: {  	[sflag:s4] =	ssyncset.done $0x0  }
0xf5: {  	[sflag:s4] =	ssyncadd.s32 $0xFFFFF800  }
0xf6: {  	_ =	swait.ge [sflag:s4], $0x800  }
0xf7: {  	[sflag:s4] =	ssyncset.done $0x0  }
0xf8: {  	[sflag:s4] =	ssyncadd.s32 $0xFFFFF800  }
0xf9: {  	_ =	swait.ge [sflag:s4], $0x800  }
0xfa: {  	[sflag:s4] =	ssyncset.done $0x0  }
0xfb: {  	[sflag:s4] =	ssyncadd.s32 $0xFFFFF800  }
0xfc: {  	_ =	swait.ge [sflag:s4], $0x800  }
0xfd: {  	[sflag:s4] =	ssyncset.done $0x0  }
0xfe: {  	[sflag:s4] =	ssyncadd.s32 $0xFFFFF800  }
0xff: {  	_ =	swait.ge [sflag:s4], $0x800  }
0x100: {  	[sflag:s4] =	ssyncset.done $0x0  }
0x101: {  	p0 =	sne.s32 s11, $0x3F000;
	[sflag:s4] =	ssyncadd.s32 $0xFFFFF800  }
.Ltmp8:
0x102: {  	_ =	swait.ge [sflag:s4], $0x800;
	(pc) =	sbr.rel @p0 .LBB2_18-.Ltmp8, $4  }
0x103: {  	[sflag:s4] =	ssyncset.done $0x0  }
0x104: {  	[sflag:s4] =	ssyncadd.s32 $0xFFFFF800  }
0x105: {  	s15 =	smov.u32 s11;
	s11 =	sadd.s32 $0x1000, s11;
	_ =	swait.ge [sflag:s4], $0x800  }
0x106: {  	s10 =	smov.u32 s15;
	s14 =	rddreg [dreg:$0x3];
	[sflag:s4] =	ssyncset.done $0x0  }
0x107: {  	s11 =	sadd.s32 $0x10, s12  }
0x108: {  	s11 =	sand.u32 $0x7F0, s11  }
0x109: {  	[sflag:s4] =	ssyncadd.s32 $0xFFFFF800;
	s10 =	sadd.s32 s10, s14;
	s21 =	ssub.s32 $0x7C68, s11  }
0x10a: {  	[hbm4b:s10+s3] =	stream.linear.scatter [tilespmem:s21], [sflag:$0x1], $0x800, $0x38;
	[tilespmem:$0x8480] =	vst v63  }
0x10b: {  	s22 =	sadd.s32 $0x100, s10;
	s13 =	ssub.s32 $0x6C58, s11  }
0x10c: {  	[hbm4b:s22+s3] =	stream.linear.scatter [tilespmem:s13], [sflag:$0x1], $0x800, $0x38;
	[tilespmem:$0x8480] =	vst v63  }
0x10d: {  	s23 =	sadd.s32 $0x200, s10;
	s24 =	ssub.s32 $0x5C48, s11  }
0x10e: {  	[hbm4b:s23+s3] =	stream.linear.scatter [tilespmem:s24], [sflag:$0x1], $0x800, $0x38;
	[tilespmem:$0x8480] =	vst v63  }
0x10f: {  	s25 =	sadd.s32 $0x300, s10;
	s26 =	ssub.s32 $0x4C38, s11  }
0x110: {  	[hbm4b:s25+s3] =	stream.linear.scatter [tilespmem:s26], [sflag:$0x1], $0x800, $0x38;
	[tilespmem:$0x8480] =	vst v63  }
0x111: {  	s28 =	sadd.s32 $0x400, s10;
	s29 =	ssub.s32 $0x3C28, s11  }
0x112: {  	[hbm4b:s28+s3] =	stream.linear.scatter [tilespmem:s29], [sflag:$0x1], $0x800, $0x38;
	[tilespmem:$0x8480] =	vst v63  }
0x113: {  	s30 =	sadd.s32 $0x500, s10;
	s31 =	ssub.s32 $0x2C18, s11  }
0x114: {  	[hbm4b:s30+s3] =	stream.linear.scatter [tilespmem:s31], [sflag:$0x1], $0x800, $0x38;
	[tilespmem:$0x8480] =	vst v63  }
0x115: {  	s14 =	ssub.s32 $0x1C08, s11;
	s13 =	sadd.s32 $0x600, s10  }
0x116: {  	[hbm4b:s13+s3] =	stream.linear.scatter [tilespmem:s14], [sflag:$0x1], $0x800, $0x38;
	[tilespmem:$0x8480] =	vst v63  }
0x117: {  	s15 =	sadd.s32 $0x700, s10;
	s16 =	ssub.s32 $0xBF8, s11  }
0x118: {  	[hbm4b:s15+s3] =	stream.linear.scatter [tilespmem:s16], [sflag:$0x1], $0x800, $0x38;
	[tilespmem:$0x8480] =	vst v63  }
0x119: {  	s17 =	sadd.s32 $0x800, s10;
	s18 =	ssub.s32 $0x7C60, s11  }
0x11a: {  	[hbm4b:s17+s3] =	stream.linear.scatter [tilespmem:s18], [sflag:$0x1], $0x800, $0x38;
	[tilespmem:$0x8480] =	vst v63  }
0x11b: {  	s19 =	sadd.s32 $0x900, s10;
	s20 =	ssub.s32 $0x6C50, s11  }
0x11c: {  	[hbm4b:s19+s3] =	stream.linear.scatter [tilespmem:s20], [sflag:$0x1], $0x800, $0x38;
	[tilespmem:$0x8480] =	vst v63  }
0x11d: {  	s21 =	sadd.s32 $0xA00, s10;
	s22 =	ssub.s32 $0x5C40, s11  }
0x11e: {  	[hbm4b:s21+s3] =	stream.linear.scatter [tilespmem:s22], [sflag:$0x1], $0x800, $0x38;
	[tilespmem:$0x8480] =	vst v63  }
0x11f: {  	s23 =	sadd.s32 $0xB00, s10;
	s24 =	ssub.s32 $0x4C30, s11  }
0x120: {  	[hbm4b:s23+s3] =	stream.linear.scatter [tilespmem:s24], [sflag:$0x1], $0x800, $0x38;
	[tilespmem:$0x8480] =	vst v63  }
0x121: {  	s25 =	sadd.s32 $0xC00, s10;
	s26 =	ssub.s32 $0x3C20, s11  }
0x122: {  	[hbm4b:s25+s3] =	stream.linear.scatter [tilespmem:s26], [sflag:$0x1], $0x800, $0x38;
	[tilespmem:$0x8480] =	vst v63  }
0x123: {  	s28 =	sadd.s32 $0xD00, s10;
	s29 =	ssub.s32 $0x2C10, s11  }
0x124: {  	[hbm4b:s28+s3] =	stream.linear.scatter [tilespmem:s29], [sflag:$0x1], $0x800, $0x38;
	[tilespmem:$0x8480] =	vst v63  }
0x125: {  	s30 =	sadd.s32 $0xE00, s10;
	s31 =	ssub.s32 $0x1C00, s11  }
0x126: {  	[hbm4b:s30+s3] =	stream.linear.scatter [tilespmem:s31], [sflag:$0x1], $0x800, $0x38;
	[tilespmem:$0x8480] =	vst v63  }
0x127: {  	s10 =	sadd.s32 $0xF00, s10;
	s11 =	ssub.s32 $0xBF0, s11  }
0x128: {  	[hbm4b:s10+s3] =	stream.linear.scatter [tilespmem:s11], [sflag:$0x1], $0x800, $0x38;
	[tilespmem:$0x8480] =	vst v63  }
0x129: {  	_ =	swait.ge [sflag:s4], $0x800  }
0x12a: {  	[sflag:s4] =	ssyncset.done $0x0  }
0x12b: {  	[sflag:s4] =	ssyncadd.s32 $0xFFFFF800  }
0x12c: {  	_ =	swait.ge [sflag:s4], $0x800  }
0x12d: {  	[sflag:s4] =	ssyncset.done $0x0  }
0x12e: {  	[sflag:s4] =	ssyncadd.s32 $0xFFFFF800  }
0x12f: {  	_ =	swait.ge [sflag:s4], $0x800  }
0x130: {  	[sflag:s4] =	ssyncset.done $0x0  }
0x131: {  	[sflag:s4] =	ssyncadd.s32 $0xFFFFF800  }
0x132: {  	_ =	swait.ge [sflag:s4], $0x800  }
0x133: {  	[sflag:s4] =	ssyncset.done $0x0  }
0x134: {  	[sflag:s4] =	ssyncadd.s32 $0xFFFFF800  }
0x135: {  	_ =	swait.ge [sflag:s4], $0x800  }
0x136: {  	[sflag:s4] =	ssyncset.done $0x0  }
0x137: {  	[sflag:s4] =	ssyncadd.s32 $0xFFFFF800  }
0x138: {  	_ =	swait.ge [sflag:s4], $0x800  }
0x139: {  	[sflag:s4] =	ssyncset.done $0x0  }
0x13a: {  	[sflag:s4] =	ssyncadd.s32 $0xFFFFF800  }
0x13b: {  	_ =	swait.ge [sflag:s4], $0x800  }
0x13c: {  	[sflag:s4] =	ssyncset.done $0x0  }
0x13d: {  	[sflag:s4] =	ssyncadd.s32 $0xFFFFF800  }
0x13e: {  	_ =	swait.ge [sflag:s4], $0x800  }
0x13f: {  	[sflag:s4] =	ssyncset.done $0x0  }
0x140: {  	[sflag:s4] =	ssyncadd.s32 $0xFFFFF800  }
0x141: {  	_ =	swait.ge [sflag:s4], $0x800  }
0x142: {  	[sflag:s4] =	ssyncset.done $0x0  }
0x143: {  	[sflag:s4] =	ssyncadd.s32 $0xFFFFF800  }
0x144: {  	_ =	swait.ge [sflag:s4], $0x800  }
0x145: {  	[sflag:s4] =	ssyncset.done $0x0  }
0x146: {  	[sflag:s4] =	ssyncadd.s32 $0xFFFFF800  }
0x147: {  	_ =	swait.ge [sflag:s4], $0x800  }
0x148: {  	[sflag:s4] =	ssyncset.done $0x0  }
0x149: {  	[sflag:s4] =	ssyncadd.s32 $0xFFFFF800  }
0x14a: {  	_ =	swait.ge [sflag:s4], $0x800  }
0x14b: {  	[sflag:s4] =	ssyncset.done $0x0  }
0x14c: {  	[sflag:s4] =	ssyncadd.s32 $0xFFFFF800  }
0x14d: {  	_ =	swait.ge [sflag:s4], $0x800  }
0x14e: {  	[sflag:s4] =	ssyncset.done $0x0  }
0x14f: {  	[sflag:s4] =	ssyncadd.s32 $0xFFFFF800  }
0x150: {  	_ =	swait.ge [sflag:s4], $0x800  }
0x151: {  	[sflag:s4] =	ssyncset.done $0x0  }
0x152: {  	s9 =	sadd.s32 $0x1, s9;
	[sflag:s4] =	ssyncadd.s32 $0xFFFFF800  }
0x153: {  	p0 =	sne.s32 s9, s6;
	_ =	swait.ge [sflag:s4], $0x800  }
.Ltmp9:
0x154: {  	[sflag:s4] =	ssyncset.done $0x0;
	(pc) =	sbr.rel @p0 .LBB2_1-.Ltmp9, $4  }
0x155: {  	[sflag:s4] =	ssyncadd.s32 $0xFFFFF800  }
0x156: {  	_ =	swait.ge [sflag:s4], $0x800  }
0x157: {  	[sflag:s4] =	ssyncset.done $0x0  }
0x158: {  	[sflag:s4] =	ssyncadd.s32 $0xFFFFF800  }
0x159: {  	_ =	sfence.sel $0x180000  }
0x15a: {  	[bflag:$0x0] =	sbarrier.arrive $0xFFFF  }
0x15b: {  	p0 =	sne.s32 s0, $0x0;
	_ =	strace $0x90000047  }
0x15c: {  	s0 =	sadd.s32 @!p0 $0x100000, s1;
	[bflag:$0x2] =	sbarrier.arrive $0xFFFF  }
0x15d: {  	[sflag:s0] =	ssyncadd.tile.s32 @!p0 $0x1;
	_ =	shalt  }
.Lfunc_end2:
_tile_overlayer_lowered:
.L_overlay_start_2:
0x15e: {  	(tag) =	ssettag $0x2  }
0x15f: {  	s0 =	rddreg [dreg:$0x0];
	s2 =	stileid.u32  }
0x160: {  	s1 =	rddreg [dreg:$0x1];
	p0 =	sne.s32 s2, $0x0  }
0x161: {  	s3 =	rddreg [dreg:$0x2];
	[bflag:$0x3] =	sbarrier.arrive $0xFFFF;
	s2 =	simm.s32 @!p0 $0x1C02  }
0x162: {  	[timem:s3], [sflag:s2] =	dma.local @!p0 [hbm:s0], s1  }
0x163: {  	s0 =	simm.s32 @!p0 $0x2  }
0x164: {  	_ =	swait.ge @!p0 [sflag:s0], s1  }
0x165: {  	s1 =	ssub.s32 @!p0 $0x0, s1;
	[sflag:s0] =	ssyncset.done @!p0 $0x0  }
0x166: {  	[sflag:s0] =	ssyncadd.s32 @!p0 s1  }
0x167: {  	[bflag:$0x3] =	sbarrier.arrive $0xFFFF  }
0x168: {  	_ =	shalt  }

</sc_bundles>
